<compile_context>
chip_gen: v7x
topology: tpu7x:2x2x1
jax: 0.10.2.dev20260603
libtpu: 0.0.44.dev20260713+nightly
codegen_flags: <defaults>
</compile_context>

<pallas_src>
import functools

import jax
import jax.numpy as jnp
from jax import lax
from jax.experimental import pallas as pl
from jax.experimental.pallas import tpu as pltpu
from jax.experimental.pallas import tpu_sc as plsc

VOCAB = 100000
LENGTH = 2048
FEATURES = 768

_NC = 2
_NS = 16
_NW = _NC * _NS
_LANES = 16
_B_PER_W = LENGTH // _NW
_CHUNK = _LANES
_NCHUNK = _B_PER_W // _CHUNK
_VECS_PER_ROW = FEATURES // _LANES


def _make_sc_kernel():
    mesh = plsc.VectorSubcoreMesh(core_axis_name="c", subcore_axis_name="s")

    @functools.partial(
        pl.kernel,
        mesh=mesh,
        out_type=jax.ShapeDtypeStruct((LENGTH, FEATURES), jnp.float32),
        scratch_types=[
            pltpu.VMEM((_B_PER_W,), jnp.int32),
            pltpu.VMEM((_B_PER_W, FEATURES), jnp.float32),
            pltpu.VMEM((_B_PER_W, FEATURES), jnp.float32),
        ]
        + [pltpu.SemaphoreType.DMA] * 3,
    )
    def emb_kernel(tokens_hbm, wte_hbm, wpe_hbm, out_hbm,
                   idx_v, rows_v, wpe_v, gsem, wsem, ssem):
        wid = lax.axis_index("s") * _NC + lax.axis_index("c")
        base = wid * _B_PER_W

        pltpu.sync_copy(tokens_hbm.at[pl.ds(base, _B_PER_W)], idx_v)

        for k in range(_NCHUNK):
            row0 = k * _CHUNK
            idxs = idx_v[pl.ds(row0, _CHUNK)]
            pltpu.async_copy(
                wte_hbm.at[idxs], rows_v.at[pl.ds(row0, _CHUNK)], gsem)
            pltpu.async_copy(
                wpe_hbm.at[pl.ds(base + row0, _CHUNK)],
                wpe_v.at[pl.ds(row0, _CHUNK)], wsem)

        def chunk_body(k, carry):
            row0 = k * _CHUNK
            pltpu.make_async_copy(
                wte_hbm.at[pl.ds(0, _CHUNK)],
                rows_v.at[pl.ds(0, _CHUNK)], gsem).wait()
            pltpu.make_async_copy(
                wpe_hbm.at[pl.ds(0, _CHUNK)],
                wpe_v.at[pl.ds(0, _CHUNK)], wsem).wait()

            def add_row(r, c2):
                for c in range(_VECS_PER_ROW):
                    sl = pl.ds(c * _LANES, _LANES)
                    plsc.addupdate(rows_v.at[r, sl], wpe_v[r, sl])
                return c2

            lax.fori_loop(row0, row0 + _CHUNK, add_row, 0)
            pltpu.async_copy(
                rows_v.at[pl.ds(row0, _CHUNK)],
                out_hbm.at[pl.ds(base + row0, _CHUNK)], ssem)
            return carry

        lax.fori_loop(0, _NCHUNK, chunk_body, 0)
        for _ in range(_NCHUNK):
            pltpu.make_async_copy(
                rows_v.at[pl.ds(0, _CHUNK)],
                out_hbm.at[pl.ds(0, _CHUNK)], ssem).wait()

    return emb_kernel


_emb_kernel = _make_sc_kernel()


def kernel(tokens, wte, wpe):
    return _emb_kernel(tokens.astype(jnp.int32), wte, wpe)

# --- scband reference (transcript-rebuilt; emitter-appended) ---
"""Pipeline reference for scband-text-embeddings-60979945668841 (READ-ONLY COPY).

The authoritative reference and input builder live on the scoring server;
editing this copy changes nothing except your own understanding.
"""

import jax, jax.numpy as jnp
import numpy as np

VOCAB = 100000
LENGTH = 2048
FEATURES = 768

def setup_inputs(seed: int = 0) -> dict:
    key = jax.random.key(seed)
    k_tok, k_wte, k_wpe = jax.random.split(key, 3)
    tokens = jax.random.randint(k_tok, (LENGTH,), 0, VOCAB, dtype=jnp.int64 if jax.config.read('jax_enable_x64') else jnp.int32)
    lim_wte = 1.0 / (VOCAB ** 0.5)
    wte = jax.random.normal(k_wte, (VOCAB, FEATURES), dtype=jnp.float32) * 0.02
    wpe = jax.random.normal(k_wpe, (LENGTH, FEATURES), dtype=jnp.float32) * 0.02
    return {"tokens": tokens, "wte": wte, "wpe": wpe}

def reference(tokens, wte, wpe):
    # wte lookup: gather rows of token embedding table
    tok_emb = jnp.take(wte, tokens, axis=0)
    # default positions = arange(len(tokens))
    positions = jnp.arange(tokens.shape[0])
    pos_emb = jnp.take(wpe, positions, axis=0)
    return tok_emb + pos_emb

if __name__ == "__main__":
    import jax
    _d = setup_inputs()
    print(jax.jit(kernel)(*tuple(_d.values())))

</pallas_src>

<mosaic_0001>
#map = affine_map<(d0, d1) -> (0)>
#map1 = affine_map<(d0, d1) -> (0, 0)>
module attributes {stable_mosaic.version = 14 : i64} {
  func.func @emb_kernel(%arg0: i32, %arg1: i32, %arg2: memref<2048xi32, #tpu.memory_space<hbm>>, %arg3: memref<100000x768xf32, #tpu.memory_space<hbm>>, %arg4: memref<2048x768xf32, #tpu.memory_space<hbm>>, %arg5: memref<2048x768xf32, #tpu.memory_space<hbm>>, %arg6: memref<64xi32, #tpu.memory_space<vmem>>, %arg7: memref<64x768xf32, #tpu.memory_space<vmem>>, %arg8: memref<64x768xf32, #tpu.memory_space<vmem>>, %arg9: memref<!tpu.dma_semaphore, #tpu.memory_space<semaphore_mem>>, %arg10: memref<!tpu.dma_semaphore, #tpu.memory_space<semaphore_mem>>, %arg11: memref<!tpu.dma_semaphore, #tpu.memory_space<semaphore_mem>>) attributes {dimension_semantics = [#tpu.dimension_semantics<core_parallel>, #tpu.dimension_semantics<subcore_parallel>], iteration_bounds = array<i64: 2, 16>, scalar_prefetch = 0 : i64, scratch_operands = 6 : i64, tpu.core_type = #tpu.core_type<sc_vector_subcore>, window_params = [{transform_indices = #map}, {transform_indices = #map1}, {transform_indices = #map1}, {transform_indices = #map1}]} {
    %mul3A = arith.constant 2 : i32
    %mul3A_0 = arith.muli %arg1, %mul3A : i32
    %add3A = arith.addi %mul3A_0, %arg0 : i32
    %mul3A_1 = arith.constant 64 : i32
    %mul3A_2 = arith.muli %add3A, %mul3A_1 : i32
    "tpu.region"() ({
      %run_scoped3A = tpu.sem_alloc : memref<!tpu.dma_semaphore, #tpu.memory_space<semaphore_mem>>
      %dma_start3A_137 = tpu.memref_slice %arg2[%mul3A_2] : memref<2048xi32, #tpu.memory_space<hbm>> -> memref<64xi32, #tpu.memory_space<hbm>>
      %dma_start3A_138 = tpu.memref_slice %arg2[%mul3A_2] : memref<2048xi32, #tpu.memory_space<hbm>> -> memref<64xi32, #tpu.memory_space<hbm>>
      tpu.enqueue_dma source(%dma_start3A_138 : memref<64xi32, #tpu.memory_space<hbm>>) target(%arg6 : memref<64xi32, #tpu.memory_space<vmem>>) target_semaphore(%run_scoped3A : memref<!tpu.dma_semaphore, #tpu.memory_space<semaphore_mem>>)
      %dma_wait3A_139 = tpu.memref_slice %arg2[%mul3A_2] : memref<2048xi32, #tpu.memory_space<hbm>> -> memref<64xi32, #tpu.memory_space<hbm>>
      %dma_wait3A_140 = tpu.memref_slice %arg2[%mul3A_2] : memref<2048xi32, #tpu.memory_space<hbm>> -> memref<64xi32, #tpu.memory_space<hbm>>
      tpu.wait_dma2 semaphore(%run_scoped3A : memref<!tpu.dma_semaphore, #tpu.memory_space<semaphore_mem>>) src(%dma_wait3A_140 : memref<64xi32, #tpu.memory_space<hbm>>) dst(%arg6 : memref<64xi32, #tpu.memory_space<vmem>>)
      tpu.yield
    }) : () -> ()
    %get3A = arith.constant 0 : index
    %get3A_3 = tpu.vector_load %arg6[%get3A] {strides = array<i32>} : memref<64xi32, #tpu.memory_space<vmem>>, vector<16xi32>,
    %get3A_4 = vector.shape_cast %get3A_3 : vector<16xi32> to vector<16xi32>
    %dma_start3A = arith.constant 0 : i32
    %dma_start3A_5 = arith.constant 0 : i32
    %dma_start3A_6 = tpu.memref_slice %arg7[%dma_start3A, %dma_start3A_5] : memref<64x768xf32, #tpu.memory_space<vmem>> -> memref<16x768xf32, #tpu.memory_space<vmem>>
    %dma_start3A_7 = arith.constant 0 : i32
    %dma_start3A_8 = arith.constant 0 : i32
    %dma_start3A_9 = tpu.memref_slice %arg3[%dma_start3A_7, %dma_start3A_8] : memref<100000x768xf32, #tpu.memory_space<hbm>> -> memref<100000x768xf32, #tpu.memory_space<hbm>>
    tpu.enqueue_indirect_dma source(%dma_start3A_9 : memref<100000x768xf32, #tpu.memory_space<hbm>>) target(%dma_start3A_6 : memref<16x768xf32, #tpu.memory_space<vmem>>) offsets(%get3A_4 : vector<16xi32>) semaphore(%arg9 : memref<!tpu.dma_semaphore, #tpu.memory_space<semaphore_mem>>)
    %add3A_10 = arith.constant 0 : i32
    %add3A_11 = arith.addi %mul3A_2, %add3A_10 : i32
    %dma_start3A_12 = arith.constant 0 : i32
    %dma_start3A_13 = arith.constant 0 : i32
    %dma_start3A_14 = tpu.memref_slice %arg8[%dma_start3A_12, %dma_start3A_13] : memref<64x768xf32, #tpu.memory_space<vmem>> -> memref<16x768xf32, #tpu.memory_space<vmem>>
    %dma_start3A_15 = arith.constant 0 : i32
    %dma_start3A_16 = tpu.memref_slice %arg4[%add3A_11, %dma_start3A_15] : memref<2048x768xf32, #tpu.memory_space<hbm>> -> memref<16x768xf32, #tpu.memory_space<hbm>>
    %dma_start3A_17 = arith.constant 0 : i32
    %dma_start3A_18 = arith.constant 0 : i32
    %dma_start3A_19 = tpu.memref_slice %arg8[%dma_start3A_17, %dma_start3A_18] : memref<64x768xf32, #tpu.memory_space<vmem>> -> memref<16x768xf32, #tpu.memory_space<vmem>>
    %dma_start3A_20 = arith.constant 0 : i32
    %dma_start3A_21 = tpu.memref_slice %arg4[%add3A_11, %dma_start3A_20] : memref<2048x768xf32, #tpu.memory_space<hbm>> -> memref<16x768xf32, #tpu.memory_space<hbm>>
    tpu.enqueue_dma source(%dma_start3A_21 : memref<16x768xf32, #tpu.memory_space<hbm>>) target(%dma_start3A_19 : memref<16x768xf32, #tpu.memory_space<vmem>>) target_semaphore(%arg10 : memref<!tpu.dma_semaphore, #tpu.memory_space<semaphore_mem>>)
    %get3A_22 = arith.constant 16 : index
    %get3A_23 = tpu.vector_load %arg6[%get3A_22] {strides = array<i32>} : memref<64xi32, #tpu.memory_space<vmem>>, vector<16xi32>,
    %get3A_24 = vector.shape_cast %get3A_23 : vector<16xi32> to vector<16xi32>
    %dma_start3A_25 = arith.constant 16 : i32
    %dma_start3A_26 = arith.constant 0 : i32
    %dma_start3A_27 = tpu.memref_slice %arg7[%dma_start3A_25, %dma_start3A_26] : memref<64x768xf32, #tpu.memory_space<vmem>> -> memref<16x768xf32, #tpu.memory_space<vmem>>
    %dma_start3A_28 = arith.constant 0 : i32
    %dma_start3A_29 = arith.constant 0 : i32
    %dma_start3A_30 = tpu.memref_slice %arg3[%dma_start3A_28, %dma_start3A_29] : memref<100000x768xf32, #tpu.memory_space<hbm>> -> memref<100000x768xf32, #tpu.memory_space<hbm>>
    tpu.enqueue_indirect_dma source(%dma_start3A_30 : memref<100000x768xf32, #tpu.memory_space<hbm>>) target(%dma_start3A_27 : memref<16x768xf32, #tpu.memory_space<vmem>>) offsets(%get3A_24 : vector<16xi32>) semaphore(%arg9 : memref<!tpu.dma_semaphore, #tpu.memory_space<semaphore_mem>>)
    %add3A_31 = arith.constant 16 : i32
    %add3A_32 = arith.addi %mul3A_2, %add3A_31 : i32
    %dma_start3A_33 = arith.constant 16 : i32
    %dma_start3A_34 = arith.constant 0 : i32
    %dma_start3A_35 = tpu.memref_slice %arg8[%dma_start3A_33, %dma_start3A_34] : memref<64x768xf32, #tpu.memory_space<vmem>> -> memref<16x768xf32, #tpu.memory_space<vmem>>
    %dma_start3A_36 = arith.constant 0 : i32
    %dma_start3A_37 = tpu.memref_slice %arg4[%add3A_32, %dma_start3A_36] : memref<2048x768xf32, #tpu.memory_space<hbm>> -> memref<16x768xf32, #tpu.memory_space<hbm>>
    %dma_start3A_38 = arith.constant 16 : i32
    %dma_start3A_39 = arith.constant 0 : i32
    %dma_start3A_40 = tpu.memref_slice %arg8[%dma_start3A_38, %dma_start3A_39] : memref<64x768xf32, #tpu.memory_space<vmem>> -> memref<16x768xf32, #tpu.memory_space<vmem>>
    %dma_start3A_41 = arith.constant 0 : i32
    %dma_start3A_42 = tpu.memref_slice %arg4[%add3A_32, %dma_start3A_41] : memref<2048x768xf32, #tpu.memory_space<hbm>> -> memref<16x768xf32, #tpu.memory_space<hbm>>
    tpu.enqueue_dma source(%dma_start3A_42 : memref<16x768xf32, #tpu.memory_space<hbm>>) target(%dma_start3A_40 : memref<16x768xf32, #tpu.memory_space<vmem>>) target_semaphore(%arg10 : memref<!tpu.dma_semaphore, #tpu.memory_space<semaphore_mem>>)
    %get3A_43 = arith.constant 32 : index
    %get3A_44 = tpu.vector_load %arg6[%get3A_43] {strides = array<i32>} : memref<64xi32, #tpu.memory_space<vmem>>, vector<16xi32>,
    %get3A_45 = vector.shape_cast %get3A_44 : vector<16xi32> to vector<16xi32>
    %dma_start3A_46 = arith.constant 32 : i32
    %dma_start3A_47 = arith.constant 0 : i32
    %dma_start3A_48 = tpu.memref_slice %arg7[%dma_start3A_46, %dma_start3A_47] : memref<64x768xf32, #tpu.memory_space<vmem>> -> memref<16x768xf32, #tpu.memory_space<vmem>>
    %dma_start3A_49 = arith.constant 0 : i32
    %dma_start3A_50 = arith.constant 0 : i32
    %dma_start3A_51 = tpu.memref_slice %arg3[%dma_start3A_49, %dma_start3A_50] : memref<100000x768xf32, #tpu.memory_space<hbm>> -> memref<100000x768xf32, #tpu.memory_space<hbm>>
    tpu.enqueue_indirect_dma source(%dma_start3A_51 : memref<100000x768xf32, #tpu.memory_space<hbm>>) target(%dma_start3A_48 : memref<16x768xf32, #tpu.memory_space<vmem>>) offsets(%get3A_45 : vector<16xi32>) semaphore(%arg9 : memref<!tpu.dma_semaphore, #tpu.memory_space<semaphore_mem>>)
    %add3A_52 = arith.constant 32 : i32
    %add3A_53 = arith.addi %mul3A_2, %add3A_52 : i32
    %dma_start3A_54 = arith.constant 32 : i32
    %dma_start3A_55 = arith.constant 0 : i32
    %dma_start3A_56 = tpu.memref_slice %arg8[%dma_start3A_54, %dma_start3A_55] : memref<64x768xf32, #tpu.memory_space<vmem>> -> memref<16x768xf32, #tpu.memory_space<vmem>>
    %dma_start3A_57 = arith.constant 0 : i32
    %dma_start3A_58 = tpu.memref_slice %arg4[%add3A_53, %dma_start3A_57] : memref<2048x768xf32, #tpu.memory_space<hbm>> -> memref<16x768xf32, #tpu.memory_space<hbm>>
    %dma_start3A_59 = arith.constant 32 : i32
    %dma_start3A_60 = arith.constant 0 : i32
    %dma_start3A_61 = tpu.memref_slice %arg8[%dma_start3A_59, %dma_start3A_60] : memref<64x768xf32, #tpu.memory_space<vmem>> -> memref<16x768xf32, #tpu.memory_space<vmem>>
    %dma_start3A_62 = arith.constant 0 : i32
    %dma_start3A_63 = tpu.memref_slice %arg4[%add3A_53, %dma_start3A_62] : memref<2048x768xf32, #tpu.memory_space<hbm>> -> memref<16x768xf32, #tpu.memory_space<hbm>>
    tpu.enqueue_dma source(%dma_start3A_63 : memref<16x768xf32, #tpu.memory_space<hbm>>) target(%dma_start3A_61 : memref<16x768xf32, #tpu.memory_space<vmem>>) target_semaphore(%arg10 : memref<!tpu.dma_semaphore, #tpu.memory_space<semaphore_mem>>)
    %get3A_64 = arith.constant 48 : index
    %get3A_65 = tpu.vector_load %arg6[%get3A_64] {strides = array<i32>} : memref<64xi32, #tpu.memory_space<vmem>>, vector<16xi32>,
    %get3A_66 = vector.shape_cast %get3A_65 : vector<16xi32> to vector<16xi32>
    %dma_start3A_67 = arith.constant 48 : i32
    %dma_start3A_68 = arith.constant 0 : i32
    %dma_start3A_69 = tpu.memref_slice %arg7[%dma_start3A_67, %dma_start3A_68] : memref<64x768xf32, #tpu.memory_space<vmem>> -> memref<16x768xf32, #tpu.memory_space<vmem>>
    %dma_start3A_70 = arith.constant 0 : i32
    %dma_start3A_71 = arith.constant 0 : i32
    %dma_start3A_72 = tpu.memref_slice %arg3[%dma_start3A_70, %dma_start3A_71] : memref<100000x768xf32, #tpu.memory_space<hbm>> -> memref<100000x768xf32, #tpu.memory_space<hbm>>
    tpu.enqueue_indirect_dma source(%dma_start3A_72 : memref<100000x768xf32, #tpu.memory_space<hbm>>) target(%dma_start3A_69 : memref<16x768xf32, #tpu.memory_space<vmem>>) offsets(%get3A_66 : vector<16xi32>) semaphore(%arg9 : memref<!tpu.dma_semaphore, #tpu.memory_space<semaphore_mem>>)
    %add3A_73 = arith.constant 48 : i32
    %add3A_74 = arith.addi %mul3A_2, %add3A_73 : i32
    %dma_start3A_75 = arith.constant 48 : i32
    %dma_start3A_76 = arith.constant 0 : i32
    %dma_start3A_77 = tpu.memref_slice %arg8[%dma_start3A_75, %dma_start3A_76] : memref<64x768xf32, #tpu.memory_space<vmem>> -> memref<16x768xf32, #tpu.memory_space<vmem>>
    %dma_start3A_78 = arith.constant 0 : i32
    %dma_start3A_79 = tpu.memref_slice %arg4[%add3A_74, %dma_start3A_78] : memref<2048x768xf32, #tpu.memory_space<hbm>> -> memref<16x768xf32, #tpu.memory_space<hbm>>
    %dma_start3A_80 = arith.constant 48 : i32
    %dma_start3A_81 = arith.constant 0 : i32
    %dma_start3A_82 = tpu.memref_slice %arg8[%dma_start3A_80, %dma_start3A_81] : memref<64x768xf32, #tpu.memory_space<vmem>> -> memref<16x768xf32, #tpu.memory_space<vmem>>
    %dma_start3A_83 = arith.constant 0 : i32
    %dma_start3A_84 = tpu.memref_slice %arg4[%add3A_74, %dma_start3A_83] : memref<2048x768xf32, #tpu.memory_space<hbm>> -> memref<16x768xf32, #tpu.memory_space<hbm>>
    tpu.enqueue_dma source(%dma_start3A_84 : memref<16x768xf32, #tpu.memory_space<hbm>>) target(%dma_start3A_82 : memref<16x768xf32, #tpu.memory_space<vmem>>) target_semaphore(%arg10 : memref<!tpu.dma_semaphore, #tpu.memory_space<semaphore_mem>>)
    %scan3A = arith.constant 0 : i32
    %scan3A_85 = arith.constant 0 : i32
    %scan3A_86 = arith.constant 4 : i32
    %scan3A_87 = arith.addi %scan3A_85, %scan3A_86 : i32
    %scan3A_88 = arith.constant 1 : i32
    scf.for %scan3A_137 = %scan3A_85 to %scan3A_87 step %scan3A_88  : i32 {
      %mul3A_138 = arith.constant 16 : i32
      %mul3A_139 = arith.muli %scan3A_137, %mul3A_138 : i32
      %dma_wait3A_140 = arith.constant 0 : i32
      %dma_wait3A_141 = arith.constant 0 : i32
      %dma_wait3A_142 = tpu.memref_slice %arg7[%dma_wait3A_140, %dma_wait3A_141] : memref<64x768xf32, #tpu.memory_space<vmem>> -> memref<16x768xf32, #tpu.memory_space<vmem>>
      %dma_wait3A_143 = arith.constant 0 : i32
      %dma_wait3A_144 = arith.constant 0 : i32
      %dma_wait3A_145 = tpu.memref_slice %arg3[%dma_wait3A_143, %dma_wait3A_144] : memref<100000x768xf32, #tpu.memory_space<hbm>> -> memref<16x768xf32, #tpu.memory_space<hbm>>
      %dma_wait3A_146 = arith.constant 0 : i32
      %dma_wait3A_147 = arith.constant 0 : i32
      %dma_wait3A_148 = tpu.memref_slice %arg7[%dma_wait3A_146, %dma_wait3A_147] : memref<64x768xf32, #tpu.memory_space<vmem>> -> memref<16x768xf32, #tpu.memory_space<vmem>>
      %dma_wait3A_149 = arith.constant 0 : i32
      %dma_wait3A_150 = arith.constant 0 : i32
      %dma_wait3A_151 = tpu.memref_slice %arg3[%dma_wait3A_149, %dma_wait3A_150] : memref<100000x768xf32, #tpu.memory_space<hbm>> -> memref<16x768xf32, #tpu.memory_space<hbm>>
      tpu.wait_dma2 semaphore(%arg9 : memref<!tpu.dma_semaphore, #tpu.memory_space<semaphore_mem>>) src(%dma_wait3A_151 : memref<16x768xf32, #tpu.memory_space<hbm>>) dst(%dma_wait3A_148 : memref<16x768xf32, #tpu.memory_space<vmem>>)
      %dma_wait3A_152 = arith.constant 0 : i32
      %dma_wait3A_153 = arith.constant 0 : i32
      %dma_wait3A_154 = tpu.memref_slice %arg8[%dma_wait3A_152, %dma_wait3A_153] : memref<64x768xf32, #tpu.memory_space<vmem>> -> memref<16x768xf32, #tpu.memory_space<vmem>>
      %dma_wait3A_155 = arith.constant 0 : i32
      %dma_wait3A_156 = arith.constant 0 : i32
      %dma_wait3A_157 = tpu.memref_slice %arg4[%dma_wait3A_155, %dma_wait3A_156] : memref<2048x768xf32, #tpu.memory_space<hbm>> -> memref<16x768xf32, #tpu.memory_space<hbm>>
      %dma_wait3A_158 = arith.constant 0 : i32
      %dma_wait3A_159 = arith.constant 0 : i32
      %dma_wait3A_160 = tpu.memref_slice %arg8[%dma_wait3A_158, %dma_wait3A_159] : memref<64x768xf32, #tpu.memory_space<vmem>> -> memref<16x768xf32, #tpu.memory_space<vmem>>
      %dma_wait3A_161 = arith.constant 0 : i32
      %dma_wait3A_162 = arith.constant 0 : i32
      %dma_wait3A_163 = tpu.memref_slice %arg4[%dma_wait3A_161, %dma_wait3A_162] : memref<2048x768xf32, #tpu.memory_space<hbm>> -> memref<16x768xf32, #tpu.memory_space<hbm>>
      tpu.wait_dma2 semaphore(%arg10 : memref<!tpu.dma_semaphore, #tpu.memory_space<semaphore_mem>>) src(%dma_wait3A_163 : memref<16x768xf32, #tpu.memory_space<hbm>>) dst(%dma_wait3A_160 : memref<16x768xf32, #tpu.memory_space<vmem>>)
      %add3A_164 = arith.constant 16 : i32
      %add3A_165 = arith.addi %mul3A_139, %add3A_164 : i32
      %while3A = arith.constant 0 : i32
      %while3A_166 = arith.subi %add3A_165, %mul3A_139 : i32
      %while3A_167 = arith.addi %mul3A_139, %while3A_166 : i32
      %while3A_168 = arith.constant 1 : i32
      %while3A_169 = arith.divsi %while3A_166, %while3A_168 : i32
      %while3A_170 = arith.muli %while3A_169, %while3A_168 : i32
      %while3A_171 = arith.addi %mul3A_139, %while3A_170 : i32
      %while3A_172 = arith.constant 1 : i32
      scf.for %while3A_183 = %mul3A_139 to %while3A_171 step %while3A_172  : i32 {
        %get3A_184 = arith.index_cast %while3A_183 : i32 to index
        %get3A_185 = arith.constant 0 : index
        %get3A_186 = tpu.vector_load %arg8[%get3A_184, %get3A_185] {strides = array<i32>} : memref<64x768xf32, #tpu.memory_space<vmem>>, vector<1x16xf32>,
        %get3A_187 = vector.shape_cast %get3A_186 : vector<1x16xf32> to vector<16xf32>
        %swap3A = arith.index_cast %while3A_183 : i32 to index
        %swap3A_188 = arith.constant 0 : index
        %swap3A_189 = tpu.vector_load %arg7[%swap3A, %swap3A_188] {strides = array<i32>} : memref<64x768xf32, #tpu.memory_space<vmem>>, vector<1x16xf32>,
        %swap3A_190 = vector.shape_cast %swap3A_189 : vector<1x16xf32> to vector<16xf32>
        %swap3A_191 = vector.shape_cast %get3A_187 : vector<16xf32> to vector<1x16xf32>
        tpu.vector_store %arg7[%swap3A, %swap3A_188], %swap3A_191 {add = true, strides = array<i32>} : memref<64x768xf32, #tpu.memory_space<vmem>>, vector<1x16xf32>,
        %get3A_192 = arith.index_cast %while3A_183 : i32 to index
        %get3A_193 = arith.constant 16 : index
        %get3A_194 = tpu.vector_load %arg8[%get3A_192, %get3A_193] {strides = array<i32>} : memref<64x768xf32, #tpu.memory_space<vmem>>, vector<1x16xf32>,
        %get3A_195 = vector.shape_cast %get3A_194 : vector<1x16xf32> to vector<16xf32>
        %swap3A_196 = arith.index_cast %while3A_183 : i32 to index
        %swap3A_197 = arith.constant 16 : index
        %swap3A_198 = tpu.vector_load %arg7[%swap3A_196, %swap3A_197] {strides = array<i32>} : memref<64x768xf32, #tpu.memory_space<vmem>>, vector<1x16xf32>,
        %swap3A_199 = vector.shape_cast %swap3A_198 : vector<1x16xf32> to vector<16xf32>
        %swap3A_200 = vector.shape_cast %get3A_195 : vector<16xf32> to vector<1x16xf32>
        tpu.vector_store %arg7[%swap3A_196, %swap3A_197], %swap3A_200 {add = true, strides = array<i32>} : memref<64x768xf32, #tpu.memory_space<vmem>>, vector<1x16xf32>,
        %get3A_201 = arith.index_cast %while3A_183 : i32 to index
        %get3A_202 = arith.constant 32 : index
        %get3A_203 = tpu.vector_load %arg8[%get3A_201, %get3A_202] {strides = array<i32>} : memref<64x768xf32, #tpu.memory_space<vmem>>, vector<1x16xf32>,
        %get3A_204 = vector.shape_cast %get3A_203 : vector<1x16xf32> to vector<16xf32>
        %swap3A_205 = arith.index_cast %while3A_183 : i32 to index
        %swap3A_206 = arith.constant 32 : index
        %swap3A_207 = tpu.vector_load %arg7[%swap3A_205, %swap3A_206] {strides = array<i32>} : memref<64x768xf32, #tpu.memory_space<vmem>>, vector<1x16xf32>,
        %swap3A_208 = vector.shape_cast %swap3A_207 : vector<1x16xf32> to vector<16xf32>
        %swap3A_209 = vector.shape_cast %get3A_204 : vector<16xf32> to vector<1x16xf32>
        tpu.vector_store %arg7[%swap3A_205, %swap3A_206], %swap3A_209 {add = true, strides = array<i32>} : memref<64x768xf32, #tpu.memory_space<vmem>>, vector<1x16xf32>,
        %get3A_210 = arith.index_cast %while3A_183 : i32 to index
        %get3A_211 = arith.constant 48 : index
        %get3A_212 = tpu.vector_load %arg8[%get3A_210, %get3A_211] {strides = array<i32>} : memref<64x768xf32, #tpu.memory_space<vmem>>, vector<1x16xf32>,
        %get3A_213 = vector.shape_cast %get3A_212 : vector<1x16xf32> to vector<16xf32>
        %swap3A_214 = arith.index_cast %while3A_183 : i32 to index
        %swap3A_215 = arith.constant 48 : index
        %swap3A_216 = tpu.vector_load %arg7[%swap3A_214, %swap3A_215] {strides = array<i32>} : memref<64x768xf32, #tpu.memory_space<vmem>>, vector<1x16xf32>,
        %swap3A_217 = vector.shape_cast %swap3A_216 : vector<1x16xf32> to vector<16xf32>
        %swap3A_218 = vector.shape_cast %get3A_213 : vector<16xf32> to vector<1x16xf32>
        tpu.vector_store %arg7[%swap3A_214, %swap3A_215], %swap3A_218 {add = true, strides = array<i32>} : memref<64x768xf32, #tpu.memory_space<vmem>>, vector<1x16xf32>,
        %get3A_219 = arith.index_cast %while3A_183 : i32 to index
        %get3A_220 = arith.constant 64 : index
        %get3A_221 = tpu.vector_load %arg8[%get3A_219, %get3A_220] {strides = array<i32>} : memref<64x768xf32, #tpu.memory_space<vmem>>, vector<1x16xf32>,
        %get3A_222 = vector.shape_cast %get3A_221 : vector<1x16xf32> to vector<16xf32>
        %swap3A_223 = arith.index_cast %while3A_183 : i32 to index
        %swap3A_224 = arith.constant 64 : index
        %swap3A_225 = tpu.vector_load %arg7[%swap3A_223, %swap3A_224] {strides = array<i32>} : memref<64x768xf32, #tpu.memory_space<vmem>>, vector<1x16xf32>,
        %swap3A_226 = vector.shape_cast %swap3A_225 : vector<1x16xf32> to vector<16xf32>
        %swap3A_227 = vector.shape_cast %get3A_222 : vector<16xf32> to vector<1x16xf32>
        tpu.vector_store %arg7[%swap3A_223, %swap3A_224], %swap3A_227 {add = true, strides = array<i32>} : memref<64x768xf32, #tpu.memory_space<vmem>>, vector<1x16xf32>,
        %get3A_228 = arith.index_cast %while3A_183 : i32 to index
        %get3A_229 = arith.constant 80 : index
        %get3A_230 = tpu.vector_load %arg8[%get3A_228, %get3A_229] {strides = array<i32>} : memref<64x768xf32, #tpu.memory_space<vmem>>, vector<1x16xf32>,
        %get3A_231 = vector.shape_cast %get3A_230 : vector<1x16xf32> to vector<16xf32>
        %swap3A_232 = arith.index_cast %while3A_183 : i32 to index
        %swap3A_233 = arith.constant 80 : index
        %swap3A_234 = tpu.vector_load %arg7[%swap3A_232, %swap3A_233] {strides = array<i32>} : memref<64x768xf32, #tpu.memory_space<vmem>>, vector<1x16xf32>,
        %swap3A_235 = vector.shape_cast %swap3A_234 : vector<1x16xf32> to vector<16xf32>
        %swap3A_236 = vector.shape_cast %get3A_231 : vector<16xf32> to vector<1x16xf32>
        tpu.vector_store %arg7[%swap3A_232, %swap3A_233], %swap3A_236 {add = true, strides = array<i32>} : memref<64x768xf32, #tpu.memory_space<vmem>>, vector<1x16xf32>,
        %get3A_237 = arith.index_cast %while3A_183 : i32 to index
        %get3A_238 = arith.constant 96 : index
        %get3A_239 = tpu.vector_load %arg8[%get3A_237, %get3A_238] {strides = array<i32>} : memref<64x768xf32, #tpu.memory_space<vmem>>, vector<1x16xf32>,
        %get3A_240 = vector.shape_cast %get3A_239 : vector<1x16xf32> to vector<16xf32>
        %swap3A_241 = arith.index_cast %while3A_183 : i32 to index
        %swap3A_242 = arith.constant 96 : index
        %swap3A_243 = tpu.vector_load %arg7[%swap3A_241, %swap3A_242] {strides = array<i32>} : memref<64x768xf32, #tpu.memory_space<vmem>>, vector<1x16xf32>,
        %swap3A_244 = vector.shape_cast %swap3A_243 : vector<1x16xf32> to vector<16xf32>
        %swap3A_245 = vector.shape_cast %get3A_240 : vector<16xf32> to vector<1x16xf32>
        tpu.vector_store %arg7[%swap3A_241, %swap3A_242], %swap3A_245 {add = true, strides = array<i32>} : memref<64x768xf32, #tpu.memory_space<vmem>>, vector<1x16xf32>,
        %get3A_246 = arith.index_cast %while3A_183 : i32 to index
        %get3A_247 = arith.constant 112 : index
        %get3A_248 = tpu.vector_load %arg8[%get3A_246, %get3A_247] {strides = array<i32>} : memref<64x768xf32, #tpu.memory_space<vmem>>, vector<1x16xf32>,
        %get3A_249 = vector.shape_cast %get3A_248 : vector<1x16xf32> to vector<16xf32>
        %swap3A_250 = arith.index_cast %while3A_183 : i32 to index
        %swap3A_251 = arith.constant 112 : index
        %swap3A_252 = tpu.vector_load %arg7[%swap3A_250, %swap3A_251] {strides = array<i32>} : memref<64x768xf32, #tpu.memory_space<vmem>>, vector<1x16xf32>,
        %swap3A_253 = vector.shape_cast %swap3A_252 : vector<1x16xf32> to vector<16xf32>
        %swap3A_254 = vector.shape_cast %get3A_249 : vector<16xf32> to vector<1x16xf32>
        tpu.vector_store %arg7[%swap3A_250, %swap3A_251], %swap3A_254 {add = true, strides = array<i32>} : memref<64x768xf32, #tpu.memory_space<vmem>>, vector<1x16xf32>,
        %get3A_255 = arith.index_cast %while3A_183 : i32 to index
        %get3A_256 = arith.constant 128 : index
        %get3A_257 = tpu.vector_load %arg8[%get3A_255, %get3A_256] {strides = array<i32>} : memref<64x768xf32, #tpu.memory_space<vmem>>, vector<1x16xf32>,
        %get3A_258 = vector.shape_cast %get3A_257 : vector<1x16xf32> to vector<16xf32>
        %swap3A_259 = arith.index_cast %while3A_183 : i32 to index
        %swap3A_260 = arith.constant 128 : index
        %swap3A_261 = tpu.vector_load %arg7[%swap3A_259, %swap3A_260] {strides = array<i32>} : memref<64x768xf32, #tpu.memory_space<vmem>>, vector<1x16xf32>,
        %swap3A_262 = vector.shape_cast %swap3A_261 : vector<1x16xf32> to vector<16xf32>
        %swap3A_263 = vector.shape_cast %get3A_258 : vector<16xf32> to vector<1x16xf32>
        tpu.vector_store %arg7[%swap3A_259, %swap3A_260], %swap3A_263 {add = true, strides = array<i32>} : memref<64x768xf32, #tpu.memory_space<vmem>>, vector<1x16xf32>,
        %get3A_264 = arith.index_cast %while3A_183 : i32 to index
        %get3A_265 = arith.constant 144 : index
        %get3A_266 = tpu.vector_load %arg8[%get3A_264, %get3A_265] {strides = array<i32>} : memref<64x768xf32, #tpu.memory_space<vmem>>, vector<1x16xf32>,
        %get3A_267 = vector.shape_cast %get3A_266 : vector<1x16xf32> to vector<16xf32>
        %swap3A_268 = arith.index_cast %while3A_183 : i32 to index
        %swap3A_269 = arith.constant 144 : index
        %swap3A_270 = tpu.vector_load %arg7[%swap3A_268, %swap3A_269] {strides = array<i32>} : memref<64x768xf32, #tpu.memory_space<vmem>>, vector<1x16xf32>,
        %swap3A_271 = vector.shape_cast %swap3A_270 : vector<1x16xf32> to vector<16xf32>
        %swap3A_272 = vector.shape_cast %get3A_267 : vector<16xf32> to vector<1x16xf32>
        tpu.vector_store %arg7[%swap3A_268, %swap3A_269], %swap3A_272 {add = true, strides = array<i32>} : memref<64x768xf32, #tpu.memory_space<vmem>>, vector<1x16xf32>,
        %get3A_273 = arith.index_cast %while3A_183 : i32 to index
        %get3A_274 = arith.constant 160 : index
        %get3A_275 = tpu.vector_load %arg8[%get3A_273, %get3A_274] {strides = array<i32>} : memref<64x768xf32, #tpu.memory_space<vmem>>, vector<1x16xf32>,
        %get3A_276 = vector.shape_cast %get3A_275 : vector<1x16xf32> to vector<16xf32>
        %swap3A_277 = arith.index_cast %while3A_183 : i32 to index
        %swap3A_278 = arith.constant 160 : index
        %swap3A_279 = tpu.vector_load %arg7[%swap3A_277, %swap3A_278] {strides = array<i32>} : memref<64x768xf32, #tpu.memory_space<vmem>>, vector<1x16xf32>,
        %swap3A_280 = vector.shape_cast %swap3A_279 : vector<1x16xf32> to vector<16xf32>
        %swap3A_281 = vector.shape_cast %get3A_276 : vector<16xf32> to vector<1x16xf32>
        tpu.vector_store %arg7[%swap3A_277, %swap3A_278], %swap3A_281 {add = true, strides = array<i32>} : memref<64x768xf32, #tpu.memory_space<vmem>>, vector<1x16xf32>,
        %get3A_282 = arith.index_cast %while3A_183 : i32 to index
        %get3A_283 = arith.constant 176 : index
        %get3A_284 = tpu.vector_load %arg8[%get3A_282, %get3A_283] {strides = array<i32>} : memref<64x768xf32, #tpu.memory_space<vmem>>, vector<1x16xf32>,
        %get3A_285 = vector.shape_cast %get3A_284 : vector<1x16xf32> to vector<16xf32>
        %swap3A_286 = arith.index_cast %while3A_183 : i32 to index
        %swap3A_287 = arith.constant 176 : index
        %swap3A_288 = tpu.vector_load %arg7[%swap3A_286, %swap3A_287] {strides = array<i32>} : memref<64x768xf32, #tpu.memory_space<vmem>>, vector<1x16xf32>,
        %swap3A_289 = vector.shape_cast %swap3A_288 : vector<1x16xf32> to vector<16xf32>
        %swap3A_290 = vector.shape_cast %get3A_285 : vector<16xf32> to vector<1x16xf32>
        tpu.vector_store %arg7[%swap3A_286, %swap3A_287], %swap3A_290 {add = true, strides = array<i32>} : memref<64x768xf32, #tpu.memory_space<vmem>>, vector<1x16xf32>,
        %get3A_291 = arith.index_cast %while3A_183 : i32 to index
        %get3A_292 = arith.constant 192 : index
        %get3A_293 = tpu.vector_load %arg8[%get3A_291, %get3A_292] {strides = array<i32>} : memref<64x768xf32, #tpu.memory_space<vmem>>, vector<1x16xf32>,
        %get3A_294 = vector.shape_cast %get3A_293 : vector<1x16xf32> to vector<16xf32>
        %swap3A_295 = arith.index_cast %while3A_183 : i32 to index
        %swap3A_296 = arith.constant 192 : index
        %swap3A_297 = tpu.vector_load %arg7[%swap3A_295, %swap3A_296] {strides = array<i32>} : memref<64x768xf32, #tpu.memory_space<vmem>>, vector<1x16xf32>,
        %swap3A_298 = vector.shape_cast %swap3A_297 : vector<1x16xf32> to vector<16xf32>
        %swap3A_299 = vector.shape_cast %get3A_294 : vector<16xf32> to vector<1x16xf32>
        tpu.vector_store %arg7[%swap3A_295, %swap3A_296], %swap3A_299 {add = true, strides = array<i32>} : memref<64x768xf32, #tpu.memory_space<vmem>>, vector<1x16xf32>,
        %get3A_300 = arith.index_cast %while3A_183 : i32 to index
        %get3A_301 = arith.constant 208 : index
        %get3A_302 = tpu.vector_load %arg8[%get3A_300, %get3A_301] {strides = array<i32>} : memref<64x768xf32, #tpu.memory_space<vmem>>, vector<1x16xf32>,
        %get3A_303 = vector.shape_cast %get3A_302 : vector<1x16xf32> to vector<16xf32>
        %swap3A_304 = arith.index_cast %while3A_183 : i32 to index
        %swap3A_305 = arith.constant 208 : index
        %swap3A_306 = tpu.vector_load %arg7[%swap3A_304, %swap3A_305] {strides = array<i32>} : memref<64x768xf32, #tpu.memory_space<vmem>>, vector<1x16xf32>,
        %swap3A_307 = vector.shape_cast %swap3A_306 : vector<1x16xf32> to vector<16xf32>
        %swap3A_308 = vector.shape_cast %get3A_303 : vector<16xf32> to vector<1x16xf32>
        tpu.vector_store %arg7[%swap3A_304, %swap3A_305], %swap3A_308 {add = true, strides = array<i32>} : memref<64x768xf32, #tpu.memory_space<vmem>>, vector<1x16xf32>,
        %get3A_309 = arith.index_cast %while3A_183 : i32 to index
        %get3A_310 = arith.constant 224 : index
        %get3A_311 = tpu.vector_load %arg8[%get3A_309, %get3A_310] {strides = array<i32>} : memref<64x768xf32, #tpu.memory_space<vmem>>, vector<1x16xf32>,
        %get3A_312 = vector.shape_cast %get3A_311 : vector<1x16xf32> to vector<16xf32>
        %swap3A_313 = arith.index_cast %while3A_183 : i32 to index
        %swap3A_314 = arith.constant 224 : index
        %swap3A_315 = tpu.vector_load %arg7[%swap3A_313, %swap3A_314] {strides = array<i32>} : memref<64x768xf32, #tpu.memory_space<vmem>>, vector<1x16xf32>,
        %swap3A_316 = vector.shape_cast %swap3A_315 : vector<1x16xf32> to vector<16xf32>
        %swap3A_317 = vector.shape_cast %get3A_312 : vector<16xf32> to vector<1x16xf32>
        tpu.vector_store %arg7[%swap3A_313, %swap3A_314], %swap3A_317 {add = true, strides = array<i32>} : memref<64x768xf32, #tpu.memory_space<vmem>>, vector<1x16xf32>,
        %get3A_318 = arith.index_cast %while3A_183 : i32 to index
        %get3A_319 = arith.constant 240 : index
        %get3A_320 = tpu.vector_load %arg8[%get3A_318, %get3A_319] {strides = array<i32>} : memref<64x768xf32, #tpu.memory_space<vmem>>, vector<1x16xf32>,
        %get3A_321 = vector.shape_cast %get3A_320 : vector<1x16xf32> to vector<16xf32>
        %swap3A_322 = arith.index_cast %while3A_183 : i32 to index
        %swap3A_323 = arith.constant 240 : index
        %swap3A_324 = tpu.vector_load %arg7[%swap3A_322, %swap3A_323] {strides = array<i32>} : memref<64x768xf32, #tpu.memory_space<vmem>>, vector<1x16xf32>,
        %swap3A_325 = vector.shape_cast %swap3A_324 : vector<1x16xf32> to vector<16xf32>
        %swap3A_326 = vector.shape_cast %get3A_321 : vector<16xf32> to vector<1x16xf32>
        tpu.vector_store %arg7[%swap3A_322, %swap3A_323], %swap3A_326 {add = true, strides = array<i32>} : memref<64x768xf32, #tpu.memory_space<vmem>>, vector<1x16xf32>,
        %get3A_327 = arith.index_cast %while3A_183 : i32 to index
        %get3A_328 = arith.constant 256 : index
        %get3A_329 = tpu.vector_load %arg8[%get3A_327, %get3A_328] {strides = array<i32>} : memref<64x768xf32, #tpu.memory_space<vmem>>, vector<1x16xf32>,
        %get3A_330 = vector.shape_cast %get3A_329 : vector<1x16xf32> to vector<16xf32>
        %swap3A_331 = arith.index_cast %while3A_183 : i32 to index
        %swap3A_332 = arith.constant 256 : index
        %swap3A_333 = tpu.vector_load %arg7[%swap3A_331, %swap3A_332] {strides = array<i32>} : memref<64x768xf32, #tpu.memory_space<vmem>>, vector<1x16xf32>,
        %swap3A_334 = vector.shape_cast %swap3A_333 : vector<1x16xf32> to vector<16xf32>
        %swap3A_335 = vector.shape_cast %get3A_330 : vector<16xf32> to vector<1x16xf32>
        tpu.vector_store %arg7[%swap3A_331, %swap3A_332], %swap3A_335 {add = true, strides = array<i32>} : memref<64x768xf32, #tpu.memory_space<vmem>>, vector<1x16xf32>,
        %get3A_336 = arith.index_cast %while3A_183 : i32 to index
        %get3A_337 = arith.constant 272 : index
        %get3A_338 = tpu.vector_load %arg8[%get3A_336, %get3A_337] {strides = array<i32>} : memref<64x768xf32, #tpu.memory_space<vmem>>, vector<1x16xf32>,
        %get3A_339 = vector.shape_cast %get3A_338 : vector<1x16xf32> to vector<16xf32>
        %swap3A_340 = arith.index_cast %while3A_183 : i32 to index
        %swap3A_341 = arith.constant 272 : index
        %swap3A_342 = tpu.vector_load %arg7[%swap3A_340, %swap3A_341] {strides = array<i32>} : memref<64x768xf32, #tpu.memory_space<vmem>>, vector<1x16xf32>,
        %swap3A_343 = vector.shape_cast %swap3A_342 : vector<1x16xf32> to vector<16xf32>
        %swap3A_344 = vector.shape_cast %get3A_339 : vector<16xf32> to vector<1x16xf32>
        tpu.vector_store %arg7[%swap3A_340, %swap3A_341], %swap3A_344 {add = true, strides = array<i32>} : memref<64x768xf32, #tpu.memory_space<vmem>>, vector<1x16xf32>,
        %get3A_345 = arith.index_cast %while3A_183 : i32 to index
        %get3A_346 = arith.constant 288 : index
        %get3A_347 = tpu.vector_load %arg8[%get3A_345, %get3A_346] {strides = array<i32>} : memref<64x768xf32, #tpu.memory_space<vmem>>, vector<1x16xf32>,
        %get3A_348 = vector.shape_cast %get3A_347 : vector<1x16xf32> to vector<16xf32>
        %swap3A_349 = arith.index_cast %while3A_183 : i32 to index
        %swap3A_350 = arith.constant 288 : index
        %swap3A_351 = tpu.vector_load %arg7[%swap3A_349, %swap3A_350] {strides = array<i32>} : memref<64x768xf32, #tpu.memory_space<vmem>>, vector<1x16xf32>,
        %swap3A_352 = vector.shape_cast %swap3A_351 : vector<1x16xf32> to vector<16xf32>
        %swap3A_353 = vector.shape_cast %get3A_348 : vector<16xf32> to vector<1x16xf32>
        tpu.vector_store %arg7[%swap3A_349, %swap3A_350], %swap3A_353 {add = true, strides = array<i32>} : memref<64x768xf32, #tpu.memory_space<vmem>>, vector<1x16xf32>,
        %get3A_354 = arith.index_cast %while3A_183 : i32 to index
        %get3A_355 = arith.constant 304 : index
        %get3A_356 = tpu.vector_load %arg8[%get3A_354, %get3A_355] {strides = array<i32>} : memref<64x768xf32, #tpu.memory_space<vmem>>, vector<1x16xf32>,
        %get3A_357 = vector.shape_cast %get3A_356 : vector<1x16xf32> to vector<16xf32>
        %swap3A_358 = arith.index_cast %while3A_183 : i32 to index
        %swap3A_359 = arith.constant 304 : index
        %swap3A_360 = tpu.vector_load %arg7[%swap3A_358, %swap3A_359] {strides = array<i32>} : memref<64x768xf32, #tpu.memory_space<vmem>>, vector<1x16xf32>,
        %swap3A_361 = vector.shape_cast %swap3A_360 : vector<1x16xf32> to vector<16xf32>
        %swap3A_362 = vector.shape_cast %get3A_357 : vector<16xf32> to vector<1x16xf32>
        tpu.vector_store %arg7[%swap3A_358, %swap3A_359], %swap3A_362 {add = true, strides = array<i32>} : memref<64x768xf32, #tpu.memory_space<vmem>>, vector<1x16xf32>,
        %get3A_363 = arith.index_cast %while3A_183 : i32 to index
        %get3A_364 = arith.constant 320 : index
        %get3A_365 = tpu.vector_load %arg8[%get3A_363, %get3A_364] {strides = array<i32>} : memref<64x768xf32, #tpu.memory_space<vmem>>, vector<1x16xf32>,
        %get3A_366 = vector.shape_cast %get3A_365 : vector<1x16xf32> to vector<16xf32>
        %swap3A_367 = arith.index_cast %while3A_183 : i32 to index
        %swap3A_368 = arith.constant 320 : index
        %swap3A_369 = tpu.vector_load %arg7[%swap3A_367, %swap3A_368] {strides = array<i32>} : memref<64x768xf32, #tpu.memory_space<vmem>>, vector<1x16xf32>,
        %swap3A_370 = vector.shape_cast %swap3A_369 : vector<1x16xf32> to vector<16xf32>
        %swap3A_371 = vector.shape_cast %get3A_366 : vector<16xf32> to vector<1x16xf32>
        tpu.vector_store %arg7[%swap3A_367, %swap3A_368], %swap3A_371 {add = true, strides = array<i32>} : memref<64x768xf32, #tpu.memory_space<vmem>>, vector<1x16xf32>,
        %get3A_372 = arith.index_cast %while3A_183 : i32 to index
        %get3A_373 = arith.constant 336 : index
        %get3A_374 = tpu.vector_load %arg8[%get3A_372, %get3A_373] {strides = array<i32>} : memref<64x768xf32, #tpu.memory_space<vmem>>, vector<1x16xf32>,
        %get3A_375 = vector.shape_cast %get3A_374 : vector<1x16xf32> to vector<16xf32>
        %swap3A_376 = arith.index_cast %while3A_183 : i32 to index
        %swap3A_377 = arith.constant 336 : index
        %swap3A_378 = tpu.vector_load %arg7[%swap3A_376, %swap3A_377] {strides = array<i32>} : memref<64x768xf32, #tpu.memory_space<vmem>>, vector<1x16xf32>,
        %swap3A_379 = vector.shape_cast %swap3A_378 : vector<1x16xf32> to vector<16xf32>
        %swap3A_380 = vector.shape_cast %get3A_375 : vector<16xf32> to vector<1x16xf32>
        tpu.vector_store %arg7[%swap3A_376, %swap3A_377], %swap3A_380 {add = true, strides = array<i32>} : memref<64x768xf32, #tpu.memory_space<vmem>>, vector<1x16xf32>,
        %get3A_381 = arith.index_cast %while3A_183 : i32 to index
        %get3A_382 = arith.constant 352 : index
        %get3A_383 = tpu.vector_load %arg8[%get3A_381, %get3A_382] {strides = array<i32>} : memref<64x768xf32, #tpu.memory_space<vmem>>, vector<1x16xf32>,
        %get3A_384 = vector.shape_cast %get3A_383 : vector<1x16xf32> to vector<16xf32>
        %swap3A_385 = arith.index_cast %while3A_183 : i32 to index
        %swap3A_386 = arith.constant 352 : index
        %swap3A_387 = tpu.vector_load %arg7[%swap3A_385, %swap3A_386] {strides = array<i32>} : memref<64x768xf32, #tpu.memory_space<vmem>>, vector<1x16xf32>,
        %swap3A_388 = vector.shape_cast %swap3A_387 : vector<1x16xf32> to vector<16xf32>
        %swap3A_389 = vector.shape_cast %get3A_384 : vector<16xf32> to vector<1x16xf32>
        tpu.vector_store %arg7[%swap3A_385, %swap3A_386], %swap3A_389 {add = true, strides = array<i32>} : memref<64x768xf32, #tpu.memory_space<vmem>>, vector<1x16xf32>,
        %get3A_390 = arith.index_cast %while3A_183 : i32 to index
        %get3A_391 = arith.constant 368 : index
        %get3A_392 = tpu.vector_load %arg8[%get3A_390, %get3A_391] {strides = array<i32>} : memref<64x768xf32, #tpu.memory_space<vmem>>, vector<1x16xf32>,
        %get3A_393 = vector.shape_cast %get3A_392 : vector<1x16xf32> to vector<16xf32>
        %swap3A_394 = arith.index_cast %while3A_183 : i32 to index
        %swap3A_395 = arith.constant 368 : index
        %swap3A_396 = tpu.vector_load %arg7[%swap3A_394, %swap3A_395] {strides = array<i32>} : memref<64x768xf32, #tpu.memory_space<vmem>>, vector<1x16xf32>,
        %swap3A_397 = vector.shape_cast %swap3A_396 : vector<1x16xf32> to vector<16xf32>
        %swap3A_398 = vector.shape_cast %get3A_393 : vector<16xf32> to vector<1x16xf32>
        tpu.vector_store %arg7[%swap3A_394, %swap3A_395], %swap3A_398 {add = true, strides = array<i32>} : memref<64x768xf32, #tpu.memory_space<vmem>>, vector<1x16xf32>,
        %get3A_399 = arith.index_cast %while3A_183 : i32 to index
        %get3A_400 = arith.constant 384 : index
        %get3A_401 = tpu.vector_load %arg8[%get3A_399, %get3A_400] {strides = array<i32>} : memref<64x768xf32, #tpu.memory_space<vmem>>, vector<1x16xf32>,
        %get3A_402 = vector.shape_cast %get3A_401 : vector<1x16xf32> to vector<16xf32>
        %swap3A_403 = arith.index_cast %while3A_183 : i32 to index
        %swap3A_404 = arith.constant 384 : index
        %swap3A_405 = tpu.vector_load %arg7[%swap3A_403, %swap3A_404] {strides = array<i32>} : memref<64x768xf32, #tpu.memory_space<vmem>>, vector<1x16xf32>,
        %swap3A_406 = vector.shape_cast %swap3A_405 : vector<1x16xf32> to vector<16xf32>
        %swap3A_407 = vector.shape_cast %get3A_402 : vector<16xf32> to vector<1x16xf32>
        tpu.vector_store %arg7[%swap3A_403, %swap3A_404], %swap3A_407 {add = true, strides = array<i32>} : memref<64x768xf32, #tpu.memory_space<vmem>>, vector<1x16xf32>,
        %get3A_408 = arith.index_cast %while3A_183 : i32 to index
        %get3A_409 = arith.constant 400 : index
        %get3A_410 = tpu.vector_load %arg8[%get3A_408, %get3A_409] {strides = array<i32>} : memref<64x768xf32, #tpu.memory_space<vmem>>, vector<1x16xf32>,
        %get3A_411 = vector.shape_cast %get3A_410 : vector<1x16xf32> to vector<16xf32>
        %swap3A_412 = arith.index_cast %while3A_183 : i32 to index
        %swap3A_413 = arith.constant 400 : index
        %swap3A_414 = tpu.vector_load %arg7[%swap3A_412, %swap3A_413] {strides = array<i32>} : memref<64x768xf32, #tpu.memory_space<vmem>>, vector<1x16xf32>,
        %swap3A_415 = vector.shape_cast %swap3A_414 : vector<1x16xf32> to vector<16xf32>
        %swap3A_416 = vector.shape_cast %get3A_411 : vector<16xf32> to vector<1x16xf32>
        tpu.vector_store %arg7[%swap3A_412, %swap3A_413], %swap3A_416 {add = true, strides = array<i32>} : memref<64x768xf32, #tpu.memory_space<vmem>>, vector<1x16xf32>,
        %get3A_417 = arith.index_cast %while3A_183 : i32 to index
        %get3A_418 = arith.constant 416 : index
        %get3A_419 = tpu.vector_load %arg8[%get3A_417, %get3A_418] {strides = array<i32>} : memref<64x768xf32, #tpu.memory_space<vmem>>, vector<1x16xf32>,
        %get3A_420 = vector.shape_cast %get3A_419 : vector<1x16xf32> to vector<16xf32>
        %swap3A_421 = arith.index_cast %while3A_183 : i32 to index
        %swap3A_422 = arith.constant 416 : index
        %swap3A_423 = tpu.vector_load %arg7[%swap3A_421, %swap3A_422] {strides = array<i32>} : memref<64x768xf32, #tpu.memory_space<vmem>>, vector<1x16xf32>,
        %swap3A_424 = vector.shape_cast %swap3A_423 : vector<1x16xf32> to vector<16xf32>
        %swap3A_425 = vector.shape_cast %get3A_420 : vector<16xf32> to vector<1x16xf32>
        tpu.vector_store %arg7[%swap3A_421, %swap3A_422], %swap3A_425 {add = true, strides = array<i32>} : memref<64x768xf32, #tpu.memory_space<vmem>>, vector<1x16xf32>,
        %get3A_426 = arith.index_cast %while3A_183 : i32 to index
        %get3A_427 = arith.constant 432 : index
        %get3A_428 = tpu.vector_load %arg8[%get3A_426, %get3A_427] {strides = array<i32>} : memref<64x768xf32, #tpu.memory_space<vmem>>, vector<1x16xf32>,
        %get3A_429 = vector.shape_cast %get3A_428 : vector<1x16xf32> to vector<16xf32>
        %swap3A_430 = arith.index_cast %while3A_183 : i32 to index
        %swap3A_431 = arith.constant 432 : index
        %swap3A_432 = tpu.vector_load %arg7[%swap3A_430, %swap3A_431] {strides = array<i32>} : memref<64x768xf32, #tpu.memory_space<vmem>>, vector<1x16xf32>,
        %swap3A_433 = vector.shape_cast %swap3A_432 : vector<1x16xf32> to vector<16xf32>
        %swap3A_434 = vector.shape_cast %get3A_429 : vector<16xf32> to vector<1x16xf32>
        tpu.vector_store %arg7[%swap3A_430, %swap3A_431], %swap3A_434 {add = true, strides = array<i32>} : memref<64x768xf32, #tpu.memory_space<vmem>>, vector<1x16xf32>,
        %get3A_435 = arith.index_cast %while3A_183 : i32 to index
        %get3A_436 = arith.constant 448 : index
        %get3A_437 = tpu.vector_load %arg8[%get3A_435, %get3A_436] {strides = array<i32>} : memref<64x768xf32, #tpu.memory_space<vmem>>, vector<1x16xf32>,
        %get3A_438 = vector.shape_cast %get3A_437 : vector<1x16xf32> to vector<16xf32>
        %swap3A_439 = arith.index_cast %while3A_183 : i32 to index
        %swap3A_440 = arith.constant 448 : index
        %swap3A_441 = tpu.vector_load %arg7[%swap3A_439, %swap3A_440] {strides = array<i32>} : memref<64x768xf32, #tpu.memory_space<vmem>>, vector<1x16xf32>,
        %swap3A_442 = vector.shape_cast %swap3A_441 : vector<1x16xf32> to vector<16xf32>
        %swap3A_443 = vector.shape_cast %get3A_438 : vector<16xf32> to vector<1x16xf32>
        tpu.vector_store %arg7[%swap3A_439, %swap3A_440], %swap3A_443 {add = true, strides = array<i32>} : memref<64x768xf32, #tpu.memory_space<vmem>>, vector<1x16xf32>,
        %get3A_444 = arith.index_cast %while3A_183 : i32 to index
        %get3A_445 = arith.constant 464 : index
        %get3A_446 = tpu.vector_load %arg8[%get3A_444, %get3A_445] {strides = array<i32>} : memref<64x768xf32, #tpu.memory_space<vmem>>, vector<1x16xf32>,
        %get3A_447 = vector.shape_cast %get3A_446 : vector<1x16xf32> to vector<16xf32>
        %swap3A_448 = arith.index_cast %while3A_183 : i32 to index
        %swap3A_449 = arith.constant 464 : index
        %swap3A_450 = tpu.vector_load %arg7[%swap3A_448, %swap3A_449] {strides = array<i32>} : memref<64x768xf32, #tpu.memory_space<vmem>>, vector<1x16xf32>,
        %swap3A_451 = vector.shape_cast %swap3A_450 : vector<1x16xf32> to vector<16xf32>
        %swap3A_452 = vector.shape_cast %get3A_447 : vector<16xf32> to vector<1x16xf32>
        tpu.vector_store %arg7[%swap3A_448, %swap3A_449], %swap3A_452 {add = true, strides = array<i32>} : memref<64x768xf32, #tpu.memory_space<vmem>>, vector<1x16xf32>,
        %get3A_453 = arith.index_cast %while3A_183 : i32 to index
        %get3A_454 = arith.constant 480 : index
        %get3A_455 = tpu.vector_load %arg8[%get3A_453, %get3A_454] {strides = array<i32>} : memref<64x768xf32, #tpu.memory_space<vmem>>, vector<1x16xf32>,
        %get3A_456 = vector.shape_cast %get3A_455 : vector<1x16xf32> to vector<16xf32>
        %swap3A_457 = arith.index_cast %while3A_183 : i32 to index
        %swap3A_458 = arith.constant 480 : index
        %swap3A_459 = tpu.vector_load %arg7[%swap3A_457, %swap3A_458] {strides = array<i32>} : memref<64x768xf32, #tpu.memory_space<vmem>>, vector<1x16xf32>,
        %swap3A_460 = vector.shape_cast %swap3A_459 : vector<1x16xf32> to vector<16xf32>
        %swap3A_461 = vector.shape_cast %get3A_456 : vector<16xf32> to vector<1x16xf32>
        tpu.vector_store %arg7[%swap3A_457, %swap3A_458], %swap3A_461 {add = true, strides = array<i32>} : memref<64x768xf32, #tpu.memory_space<vmem>>, vector<1x16xf32>,
        %get3A_462 = arith.index_cast %while3A_183 : i32 to index
        %get3A_463 = arith.constant 496 : index
        %get3A_464 = tpu.vector_load %arg8[%get3A_462, %get3A_463] {strides = array<i32>} : memref<64x768xf32, #tpu.memory_space<vmem>>, vector<1x16xf32>,
        %get3A_465 = vector.shape_cast %get3A_464 : vector<1x16xf32> to vector<16xf32>
        %swap3A_466 = arith.index_cast %while3A_183 : i32 to index
        %swap3A_467 = arith.constant 496 : index
        %swap3A_468 = tpu.vector_load %arg7[%swap3A_466, %swap3A_467] {strides = array<i32>} : memref<64x768xf32, #tpu.memory_space<vmem>>, vector<1x16xf32>,
        %swap3A_469 = vector.shape_cast %swap3A_468 : vector<1x16xf32> to vector<16xf32>
        %swap3A_470 = vector.shape_cast %get3A_465 : vector<16xf32> to vector<1x16xf32>
        tpu.vector_store %arg7[%swap3A_466, %swap3A_467], %swap3A_470 {add = true, strides = array<i32>} : memref<64x768xf32, #tpu.memory_space<vmem>>, vector<1x16xf32>,
        %get3A_471 = arith.index_cast %while3A_183 : i32 to index
        %get3A_472 = arith.constant 512 : index
        %get3A_473 = tpu.vector_load %arg8[%get3A_471, %get3A_472] {strides = array<i32>} : memref<64x768xf32, #tpu.memory_space<vmem>>, vector<1x16xf32>,
        %get3A_474 = vector.shape_cast %get3A_473 : vector<1x16xf32> to vector<16xf32>
        %swap3A_475 = arith.index_cast %while3A_183 : i32 to index
        %swap3A_476 = arith.constant 512 : index
        %swap3A_477 = tpu.vector_load %arg7[%swap3A_475, %swap3A_476] {strides = array<i32>} : memref<64x768xf32, #tpu.memory_space<vmem>>, vector<1x16xf32>,
        %swap3A_478 = vector.shape_cast %swap3A_477 : vector<1x16xf32> to vector<16xf32>
        %swap3A_479 = vector.shape_cast %get3A_474 : vector<16xf32> to vector<1x16xf32>
        tpu.vector_store %arg7[%swap3A_475, %swap3A_476], %swap3A_479 {add = true, strides = array<i32>} : memref<64x768xf32, #tpu.memory_space<vmem>>, vector<1x16xf32>,
        %get3A_480 = arith.index_cast %while3A_183 : i32 to index
        %get3A_481 = arith.constant 528 : index
        %get3A_482 = tpu.vector_load %arg8[%get3A_480, %get3A_481] {strides = array<i32>} : memref<64x768xf32, #tpu.memory_space<vmem>>, vector<1x16xf32>,
        %get3A_483 = vector.shape_cast %get3A_482 : vector<1x16xf32> to vector<16xf32>
        %swap3A_484 = arith.index_cast %while3A_183 : i32 to index
        %swap3A_485 = arith.constant 528 : index
        %swap3A_486 = tpu.vector_load %arg7[%swap3A_484, %swap3A_485] {strides = array<i32>} : memref<64x768xf32, #tpu.memory_space<vmem>>, vector<1x16xf32>,
        %swap3A_487 = vector.shape_cast %swap3A_486 : vector<1x16xf32> to vector<16xf32>
        %swap3A_488 = vector.shape_cast %get3A_483 : vector<16xf32> to vector<1x16xf32>
        tpu.vector_store %arg7[%swap3A_484, %swap3A_485], %swap3A_488 {add = true, strides = array<i32>} : memref<64x768xf32, #tpu.memory_space<vmem>>, vector<1x16xf32>,
        %get3A_489 = arith.index_cast %while3A_183 : i32 to index
        %get3A_490 = arith.constant 544 : index
        %get3A_491 = tpu.vector_load %arg8[%get3A_489, %get3A_490] {strides = array<i32>} : memref<64x768xf32, #tpu.memory_space<vmem>>, vector<1x16xf32>,
        %get3A_492 = vector.shape_cast %get3A_491 : vector<1x16xf32> to vector<16xf32>
        %swap3A_493 = arith.index_cast %while3A_183 : i32 to index
        %swap3A_494 = arith.constant 544 : index
        %swap3A_495 = tpu.vector_load %arg7[%swap3A_493, %swap3A_494] {strides = array<i32>} : memref<64x768xf32, #tpu.memory_space<vmem>>, vector<1x16xf32>,
        %swap3A_496 = vector.shape_cast %swap3A_495 : vector<1x16xf32> to vector<16xf32>
        %swap3A_497 = vector.shape_cast %get3A_492 : vector<16xf32> to vector<1x16xf32>
        tpu.vector_store %arg7[%swap3A_493, %swap3A_494], %swap3A_497 {add = true, strides = array<i32>} : memref<64x768xf32, #tpu.memory_space<vmem>>, vector<1x16xf32>,
        %get3A_498 = arith.index_cast %while3A_183 : i32 to index
        %get3A_499 = arith.constant 560 : index
        %get3A_500 = tpu.vector_load %arg8[%get3A_498, %get3A_499] {strides = array<i32>} : memref<64x768xf32, #tpu.memory_space<vmem>>, vector<1x16xf32>,
        %get3A_501 = vector.shape_cast %get3A_500 : vector<1x16xf32> to vector<16xf32>
        %swap3A_502 = arith.index_cast %while3A_183 : i32 to index
        %swap3A_503 = arith.constant 560 : index
        %swap3A_504 = tpu.vector_load %arg7[%swap3A_502, %swap3A_503] {strides = array<i32>} : memref<64x768xf32, #tpu.memory_space<vmem>>, vector<1x16xf32>,
        %swap3A_505 = vector.shape_cast %swap3A_504 : vector<1x16xf32> to vector<16xf32>
        %swap3A_506 = vector.shape_cast %get3A_501 : vector<16xf32> to vector<1x16xf32>
        tpu.vector_store %arg7[%swap3A_502, %swap3A_503], %swap3A_506 {add = true, strides = array<i32>} : memref<64x768xf32, #tpu.memory_space<vmem>>, vector<1x16xf32>,
        %get3A_507 = arith.index_cast %while3A_183 : i32 to index
        %get3A_508 = arith.constant 576 : index
        %get3A_509 = tpu.vector_load %arg8[%get3A_507, %get3A_508] {strides = array<i32>} : memref<64x768xf32, #tpu.memory_space<vmem>>, vector<1x16xf32>,
        %get3A_510 = vector.shape_cast %get3A_509 : vector<1x16xf32> to vector<16xf32>
        %swap3A_511 = arith.index_cast %while3A_183 : i32 to index
        %swap3A_512 = arith.constant 576 : index
        %swap3A_513 = tpu.vector_load %arg7[%swap3A_511, %swap3A_512] {strides = array<i32>} : memref<64x768xf32, #tpu.memory_space<vmem>>, vector<1x16xf32>,
        %swap3A_514 = vector.shape_cast %swap3A_513 : vector<1x16xf32> to vector<16xf32>
        %swap3A_515 = vector.shape_cast %get3A_510 : vector<16xf32> to vector<1x16xf32>
        tpu.vector_store %arg7[%swap3A_511, %swap3A_512], %swap3A_515 {add = true, strides = array<i32>} : memref<64x768xf32, #tpu.memory_space<vmem>>, vector<1x16xf32>,
        %get3A_516 = arith.index_cast %while3A_183 : i32 to index
        %get3A_517 = arith.constant 592 : index
        %get3A_518 = tpu.vector_load %arg8[%get3A_516, %get3A_517] {strides = array<i32>} : memref<64x768xf32, #tpu.memory_space<vmem>>, vector<1x16xf32>,
        %get3A_519 = vector.shape_cast %get3A_518 : vector<1x16xf32> to vector<16xf32>
        %swap3A_520 = arith.index_cast %while3A_183 : i32 to index
        %swap3A_521 = arith.constant 592 : index
        %swap3A_522 = tpu.vector_load %arg7[%swap3A_520, %swap3A_521] {strides = array<i32>} : memref<64x768xf32, #tpu.memory_space<vmem>>, vector<1x16xf32>,
        %swap3A_523 = vector.shape_cast %swap3A_522 : vector<1x16xf32> to vector<16xf32>
        %swap3A_524 = vector.shape_cast %get3A_519 : vector<16xf32> to vector<1x16xf32>
        tpu.vector_store %arg7[%swap3A_520, %swap3A_521], %swap3A_524 {add = true, strides = array<i32>} : memref<64x768xf32, #tpu.memory_space<vmem>>, vector<1x16xf32>,
        %get3A_525 = arith.index_cast %while3A_183 : i32 to index
        %get3A_526 = arith.constant 608 : index
        %get3A_527 = tpu.vector_load %arg8[%get3A_525, %get3A_526] {strides = array<i32>} : memref<64x768xf32, #tpu.memory_space<vmem>>, vector<1x16xf32>,
        %get3A_528 = vector.shape_cast %get3A_527 : vector<1x16xf32> to vector<16xf32>
        %swap3A_529 = arith.index_cast %while3A_183 : i32 to index
        %swap3A_530 = arith.constant 608 : index
        %swap3A_531 = tpu.vector_load %arg7[%swap3A_529, %swap3A_530] {strides = array<i32>} : memref<64x768xf32, #tpu.memory_space<vmem>>, vector<1x16xf32>,
        %swap3A_532 = vector.shape_cast %swap3A_531 : vector<1x16xf32> to vector<16xf32>
        %swap3A_533 = vector.shape_cast %get3A_528 : vector<16xf32> to vector<1x16xf32>
        tpu.vector_store %arg7[%swap3A_529, %swap3A_530], %swap3A_533 {add = true, strides = array<i32>} : memref<64x768xf32, #tpu.memory_space<vmem>>, vector<1x16xf32>,
        %get3A_534 = arith.index_cast %while3A_183 : i32 to index
        %get3A_535 = arith.constant 624 : index
        %get3A_536 = tpu.vector_load %arg8[%get3A_534, %get3A_535] {strides = array<i32>} : memref<64x768xf32, #tpu.memory_space<vmem>>, vector<1x16xf32>,
        %get3A_537 = vector.shape_cast %get3A_536 : vector<1x16xf32> to vector<16xf32>
        %swap3A_538 = arith.index_cast %while3A_183 : i32 to index
        %swap3A_539 = arith.constant 624 : index
        %swap3A_540 = tpu.vector_load %arg7[%swap3A_538, %swap3A_539] {strides = array<i32>} : memref<64x768xf32, #tpu.memory_space<vmem>>, vector<1x16xf32>,
        %swap3A_541 = vector.shape_cast %swap3A_540 : vector<1x16xf32> to vector<16xf32>
        %swap3A_542 = vector.shape_cast %get3A_537 : vector<16xf32> to vector<1x16xf32>
        tpu.vector_store %arg7[%swap3A_538, %swap3A_539], %swap3A_542 {add = true, strides = array<i32>} : memref<64x768xf32, #tpu.memory_space<vmem>>, vector<1x16xf32>,
        %get3A_543 = arith.index_cast %while3A_183 : i32 to index
        %get3A_544 = arith.constant 640 : index
        %get3A_545 = tpu.vector_load %arg8[%get3A_543, %get3A_544] {strides = array<i32>} : memref<64x768xf32, #tpu.memory_space<vmem>>, vector<1x16xf32>,
        %get3A_546 = vector.shape_cast %get3A_545 : vector<1x16xf32> to vector<16xf32>
        %swap3A_547 = arith.index_cast %while3A_183 : i32 to index
        %swap3A_548 = arith.constant 640 : index
        %swap3A_549 = tpu.vector_load %arg7[%swap3A_547, %swap3A_548] {strides = array<i32>} : memref<64x768xf32, #tpu.memory_space<vmem>>, vector<1x16xf32>,
        %swap3A_550 = vector.shape_cast %swap3A_549 : vector<1x16xf32> to vector<16xf32>
        %swap3A_551 = vector.shape_cast %get3A_546 : vector<16xf32> to vector<1x16xf32>
        tpu.vector_store %arg7[%swap3A_547, %swap3A_548], %swap3A_551 {add = true, strides = array<i32>} : memref<64x768xf32, #tpu.memory_space<vmem>>, vector<1x16xf32>,
        %get3A_552 = arith.index_cast %while3A_183 : i32 to index
        %get3A_553 = arith.constant 656 : index
        %get3A_554 = tpu.vector_load %arg8[%get3A_552, %get3A_553] {strides = array<i32>} : memref<64x768xf32, #tpu.memory_space<vmem>>, vector<1x16xf32>,
        %get3A_555 = vector.shape_cast %get3A_554 : vector<1x16xf32> to vector<16xf32>
        %swap3A_556 = arith.index_cast %while3A_183 : i32 to index
        %swap3A_557 = arith.constant 656 : index
        %swap3A_558 = tpu.vector_load %arg7[%swap3A_556, %swap3A_557] {strides = array<i32>} : memref<64x768xf32, #tpu.memory_space<vmem>>, vector<1x16xf32>,
        %swap3A_559 = vector.shape_cast %swap3A_558 : vector<1x16xf32> to vector<16xf32>
        %swap3A_560 = vector.shape_cast %get3A_555 : vector<16xf32> to vector<1x16xf32>
        tpu.vector_store %arg7[%swap3A_556, %swap3A_557], %swap3A_560 {add = true, strides = array<i32>} : memref<64x768xf32, #tpu.memory_space<vmem>>, vector<1x16xf32>,
        %get3A_561 = arith.index_cast %while3A_183 : i32 to index
        %get3A_562 = arith.constant 672 : index
        %get3A_563 = tpu.vector_load %arg8[%get3A_561, %get3A_562] {strides = array<i32>} : memref<64x768xf32, #tpu.memory_space<vmem>>, vector<1x16xf32>,
        %get3A_564 = vector.shape_cast %get3A_563 : vector<1x16xf32> to vector<16xf32>
        %swap3A_565 = arith.index_cast %while3A_183 : i32 to index
        %swap3A_566 = arith.constant 672 : index
        %swap3A_567 = tpu.vector_load %arg7[%swap3A_565, %swap3A_566] {strides = array<i32>} : memref<64x768xf32, #tpu.memory_space<vmem>>, vector<1x16xf32>,
        %swap3A_568 = vector.shape_cast %swap3A_567 : vector<1x16xf32> to vector<16xf32>
        %swap3A_569 = vector.shape_cast %get3A_564 : vector<16xf32> to vector<1x16xf32>
        tpu.vector_store %arg7[%swap3A_565, %swap3A_566], %swap3A_569 {add = true, strides = array<i32>} : memref<64x768xf32, #tpu.memory_space<vmem>>, vector<1x16xf32>,
        %get3A_570 = arith.index_cast %while3A_183 : i32 to index
        %get3A_571 = arith.constant 688 : index
        %get3A_572 = tpu.vector_load %arg8[%get3A_570, %get3A_571] {strides = array<i32>} : memref<64x768xf32, #tpu.memory_space<vmem>>, vector<1x16xf32>,
        %get3A_573 = vector.shape_cast %get3A_572 : vector<1x16xf32> to vector<16xf32>
        %swap3A_574 = arith.index_cast %while3A_183 : i32 to index
        %swap3A_575 = arith.constant 688 : index
        %swap3A_576 = tpu.vector_load %arg7[%swap3A_574, %swap3A_575] {strides = array<i32>} : memref<64x768xf32, #tpu.memory_space<vmem>>, vector<1x16xf32>,
        %swap3A_577 = vector.shape_cast %swap3A_576 : vector<1x16xf32> to vector<16xf32>
        %swap3A_578 = vector.shape_cast %get3A_573 : vector<16xf32> to vector<1x16xf32>
        tpu.vector_store %arg7[%swap3A_574, %swap3A_575], %swap3A_578 {add = true, strides = array<i32>} : memref<64x768xf32, #tpu.memory_space<vmem>>, vector<1x16xf32>,
        %get3A_579 = arith.index_cast %while3A_183 : i32 to index
        %get3A_580 = arith.constant 704 : index
        %get3A_581 = tpu.vector_load %arg8[%get3A_579, %get3A_580] {strides = array<i32>} : memref<64x768xf32, #tpu.memory_space<vmem>>, vector<1x16xf32>,
        %get3A_582 = vector.shape_cast %get3A_581 : vector<1x16xf32> to vector<16xf32>
        %swap3A_583 = arith.index_cast %while3A_183 : i32 to index
        %swap3A_584 = arith.constant 704 : index
        %swap3A_585 = tpu.vector_load %arg7[%swap3A_583, %swap3A_584] {strides = array<i32>} : memref<64x768xf32, #tpu.memory_space<vmem>>, vector<1x16xf32>,
        %swap3A_586 = vector.shape_cast %swap3A_585 : vector<1x16xf32> to vector<16xf32>
        %swap3A_587 = vector.shape_cast %get3A_582 : vector<16xf32> to vector<1x16xf32>
        tpu.vector_store %arg7[%swap3A_583, %swap3A_584], %swap3A_587 {add = true, strides = array<i32>} : memref<64x768xf32, #tpu.memory_space<vmem>>, vector<1x16xf32>,
        %get3A_588 = arith.index_cast %while3A_183 : i32 to index
        %get3A_589 = arith.constant 720 : index
        %get3A_590 = tpu.vector_load %arg8[%get3A_588, %get3A_589] {strides = array<i32>} : memref<64x768xf32, #tpu.memory_space<vmem>>, vector<1x16xf32>,
        %get3A_591 = vector.shape_cast %get3A_590 : vector<1x16xf32> to vector<16xf32>
        %swap3A_592 = arith.index_cast %while3A_183 : i32 to index
        %swap3A_593 = arith.constant 720 : index
        %swap3A_594 = tpu.vector_load %arg7[%swap3A_592, %swap3A_593] {strides = array<i32>} : memref<64x768xf32, #tpu.memory_space<vmem>>, vector<1x16xf32>,
        %swap3A_595 = vector.shape_cast %swap3A_594 : vector<1x16xf32> to vector<16xf32>
        %swap3A_596 = vector.shape_cast %get3A_591 : vector<16xf32> to vector<1x16xf32>
        tpu.vector_store %arg7[%swap3A_592, %swap3A_593], %swap3A_596 {add = true, strides = array<i32>} : memref<64x768xf32, #tpu.memory_space<vmem>>, vector<1x16xf32>,
        %get3A_597 = arith.index_cast %while3A_183 : i32 to index
        %get3A_598 = arith.constant 736 : index
        %get3A_599 = tpu.vector_load %arg8[%get3A_597, %get3A_598] {strides = array<i32>} : memref<64x768xf32, #tpu.memory_space<vmem>>, vector<1x16xf32>,
        %get3A_600 = vector.shape_cast %get3A_599 : vector<1x16xf32> to vector<16xf32>
        %swap3A_601 = arith.index_cast %while3A_183 : i32 to index
        %swap3A_602 = arith.constant 736 : index
        %swap3A_603 = tpu.vector_load %arg7[%swap3A_601, %swap3A_602] {strides = array<i32>} : memref<64x768xf32, #tpu.memory_space<vmem>>, vector<1x16xf32>,
        %swap3A_604 = vector.shape_cast %swap3A_603 : vector<1x16xf32> to vector<16xf32>
        %swap3A_605 = vector.shape_cast %get3A_600 : vector<16xf32> to vector<1x16xf32>
        tpu.vector_store %arg7[%swap3A_601, %swap3A_602], %swap3A_605 {add = true, strides = array<i32>} : memref<64x768xf32, #tpu.memory_space<vmem>>, vector<1x16xf32>,
        %get3A_606 = arith.index_cast %while3A_183 : i32 to index
        %get3A_607 = arith.constant 752 : index
        %get3A_608 = tpu.vector_load %arg8[%get3A_606, %get3A_607] {strides = array<i32>} : memref<64x768xf32, #tpu.memory_space<vmem>>, vector<1x16xf32>,
        %get3A_609 = vector.shape_cast %get3A_608 : vector<1x16xf32> to vector<16xf32>
        %swap3A_610 = arith.index_cast %while3A_183 : i32 to index
        %swap3A_611 = arith.constant 752 : index
        %swap3A_612 = tpu.vector_load %arg7[%swap3A_610, %swap3A_611] {strides = array<i32>} : memref<64x768xf32, #tpu.memory_space<vmem>>, vector<1x16xf32>,
        %swap3A_613 = vector.shape_cast %swap3A_612 : vector<1x16xf32> to vector<16xf32>
        %swap3A_614 = vector.shape_cast %get3A_609 : vector<16xf32> to vector<1x16xf32>
        tpu.vector_store %arg7[%swap3A_610, %swap3A_611], %swap3A_614 {add = true, strides = array<i32>} : memref<64x768xf32, #tpu.memory_space<vmem>>, vector<1x16xf32>,
      }
      %while3A_173 = arith.constant 1 : i32
      scf.for %while3A_183 = %while3A_171 to %while3A_167 step %while3A_173  : i32 {
        %get3A_184 = arith.index_cast %while3A_183 : i32 to index
        %get3A_185 = arith.constant 0 : index
        %get3A_186 = tpu.vector_load %arg8[%get3A_184, %get3A_185] {strides = array<i32>} : memref<64x768xf32, #tpu.memory_space<vmem>>, vector<1x16xf32>,
        %get3A_187 = vector.shape_cast %get3A_186 : vector<1x16xf32> to vector<16xf32>
        %swap3A = arith.index_cast %while3A_183 : i32 to index
        %swap3A_188 = arith.constant 0 : index
        %swap3A_189 = tpu.vector_load %arg7[%swap3A, %swap3A_188] {strides = array<i32>} : memref<64x768xf32, #tpu.memory_space<vmem>>, vector<1x16xf32>,
        %swap3A_190 = vector.shape_cast %swap3A_189 : vector<1x16xf32> to vector<16xf32>
        %swap3A_191 = vector.shape_cast %get3A_187 : vector<16xf32> to vector<1x16xf32>
        tpu.vector_store %arg7[%swap3A, %swap3A_188], %swap3A_191 {add = true, strides = array<i32>} : memref<64x768xf32, #tpu.memory_space<vmem>>, vector<1x16xf32>,
        %get3A_192 = arith.index_cast %while3A_183 : i32 to index
        %get3A_193 = arith.constant 16 : index
        %get3A_194 = tpu.vector_load %arg8[%get3A_192, %get3A_193] {strides = array<i32>} : memref<64x768xf32, #tpu.memory_space<vmem>>, vector<1x16xf32>,
        %get3A_195 = vector.shape_cast %get3A_194 : vector<1x16xf32> to vector<16xf32>
        %swap3A_196 = arith.index_cast %while3A_183 : i32 to index
        %swap3A_197 = arith.constant 16 : index
        %swap3A_198 = tpu.vector_load %arg7[%swap3A_196, %swap3A_197] {strides = array<i32>} : memref<64x768xf32, #tpu.memory_space<vmem>>, vector<1x16xf32>,
        %swap3A_199 = vector.shape_cast %swap3A_198 : vector<1x16xf32> to vector<16xf32>
        %swap3A_200 = vector.shape_cast %get3A_195 : vector<16xf32> to vector<1x16xf32>
        tpu.vector_store %arg7[%swap3A_196, %swap3A_197], %swap3A_200 {add = true, strides = array<i32>} : memref<64x768xf32, #tpu.memory_space<vmem>>, vector<1x16xf32>,
        %get3A_201 = arith.index_cast %while3A_183 : i32 to index
        %get3A_202 = arith.constant 32 : index
        %get3A_203 = tpu.vector_load %arg8[%get3A_201, %get3A_202] {strides = array<i32>} : memref<64x768xf32, #tpu.memory_space<vmem>>, vector<1x16xf32>,
        %get3A_204 = vector.shape_cast %get3A_203 : vector<1x16xf32> to vector<16xf32>
        %swap3A_205 = arith.index_cast %while3A_183 : i32 to index
        %swap3A_206 = arith.constant 32 : index
        %swap3A_207 = tpu.vector_load %arg7[%swap3A_205, %swap3A_206] {strides = array<i32>} : memref<64x768xf32, #tpu.memory_space<vmem>>, vector<1x16xf32>,
        %swap3A_208 = vector.shape_cast %swap3A_207 : vector<1x16xf32> to vector<16xf32>
        %swap3A_209 = vector.shape_cast %get3A_204 : vector<16xf32> to vector<1x16xf32>
        tpu.vector_store %arg7[%swap3A_205, %swap3A_206], %swap3A_209 {add = true, strides = array<i32>} : memref<64x768xf32, #tpu.memory_space<vmem>>, vector<1x16xf32>,
        %get3A_210 = arith.index_cast %while3A_183 : i32 to index
        %get3A_211 = arith.constant 48 : index
        %get3A_212 = tpu.vector_load %arg8[%get3A_210, %get3A_211] {strides = array<i32>} : memref<64x768xf32, #tpu.memory_space<vmem>>, vector<1x16xf32>,
        %get3A_213 = vector.shape_cast %get3A_212 : vector<1x16xf32> to vector<16xf32>
        %swap3A_214 = arith.index_cast %while3A_183 : i32 to index
        %swap3A_215 = arith.constant 48 : index
        %swap3A_216 = tpu.vector_load %arg7[%swap3A_214, %swap3A_215] {strides = array<i32>} : memref<64x768xf32, #tpu.memory_space<vmem>>, vector<1x16xf32>,
        %swap3A_217 = vector.shape_cast %swap3A_216 : vector<1x16xf32> to vector<16xf32>
        %swap3A_218 = vector.shape_cast %get3A_213 : vector<16xf32> to vector<1x16xf32>
        tpu.vector_store %arg7[%swap3A_214, %swap3A_215], %swap3A_218 {add = true, strides = array<i32>} : memref<64x768xf32, #tpu.memory_space<vmem>>, vector<1x16xf32>,
        %get3A_219 = arith.index_cast %while3A_183 : i32 to index
        %get3A_220 = arith.constant 64 : index
        %get3A_221 = tpu.vector_load %arg8[%get3A_219, %get3A_220] {strides = array<i32>} : memref<64x768xf32, #tpu.memory_space<vmem>>, vector<1x16xf32>,
        %get3A_222 = vector.shape_cast %get3A_221 : vector<1x16xf32> to vector<16xf32>
        %swap3A_223 = arith.index_cast %while3A_183 : i32 to index
        %swap3A_224 = arith.constant 64 : index
        %swap3A_225 = tpu.vector_load %arg7[%swap3A_223, %swap3A_224] {strides = array<i32>} : memref<64x768xf32, #tpu.memory_space<vmem>>, vector<1x16xf32>,
        %swap3A_226 = vector.shape_cast %swap3A_225 : vector<1x16xf32> to vector<16xf32>
        %swap3A_227 = vector.shape_cast %get3A_222 : vector<16xf32> to vector<1x16xf32>
        tpu.vector_store %arg7[%swap3A_223, %swap3A_224], %swap3A_227 {add = true, strides = array<i32>} : memref<64x768xf32, #tpu.memory_space<vmem>>, vector<1x16xf32>,
        %get3A_228 = arith.index_cast %while3A_183 : i32 to index
        %get3A_229 = arith.constant 80 : index
        %get3A_230 = tpu.vector_load %arg8[%get3A_228, %get3A_229] {strides = array<i32>} : memref<64x768xf32, #tpu.memory_space<vmem>>, vector<1x16xf32>,
        %get3A_231 = vector.shape_cast %get3A_230 : vector<1x16xf32> to vector<16xf32>
        %swap3A_232 = arith.index_cast %while3A_183 : i32 to index
        %swap3A_233 = arith.constant 80 : index
        %swap3A_234 = tpu.vector_load %arg7[%swap3A_232, %swap3A_233] {strides = array<i32>} : memref<64x768xf32, #tpu.memory_space<vmem>>, vector<1x16xf32>,
        %swap3A_235 = vector.shape_cast %swap3A_234 : vector<1x16xf32> to vector<16xf32>
        %swap3A_236 = vector.shape_cast %get3A_231 : vector<16xf32> to vector<1x16xf32>
        tpu.vector_store %arg7[%swap3A_232, %swap3A_233], %swap3A_236 {add = true, strides = array<i32>} : memref<64x768xf32, #tpu.memory_space<vmem>>, vector<1x16xf32>,
        %get3A_237 = arith.index_cast %while3A_183 : i32 to index
        %get3A_238 = arith.constant 96 : index
        %get3A_239 = tpu.vector_load %arg8[%get3A_237, %get3A_238] {strides = array<i32>} : memref<64x768xf32, #tpu.memory_space<vmem>>, vector<1x16xf32>,
        %get3A_240 = vector.shape_cast %get3A_239 : vector<1x16xf32> to vector<16xf32>
        %swap3A_241 = arith.index_cast %while3A_183 : i32 to index
        %swap3A_242 = arith.constant 96 : index
        %swap3A_243 = tpu.vector_load %arg7[%swap3A_241, %swap3A_242] {strides = array<i32>} : memref<64x768xf32, #tpu.memory_space<vmem>>, vector<1x16xf32>,
        %swap3A_244 = vector.shape_cast %swap3A_243 : vector<1x16xf32> to vector<16xf32>
        %swap3A_245 = vector.shape_cast %get3A_240 : vector<16xf32> to vector<1x16xf32>
        tpu.vector_store %arg7[%swap3A_241, %swap3A_242], %swap3A_245 {add = true, strides = array<i32>} : memref<64x768xf32, #tpu.memory_space<vmem>>, vector<1x16xf32>,
        %get3A_246 = arith.index_cast %while3A_183 : i32 to index
        %get3A_247 = arith.constant 112 : index
        %get3A_248 = tpu.vector_load %arg8[%get3A_246, %get3A_247] {strides = array<i32>} : memref<64x768xf32, #tpu.memory_space<vmem>>, vector<1x16xf32>,
        %get3A_249 = vector.shape_cast %get3A_248 : vector<1x16xf32> to vector<16xf32>
        %swap3A_250 = arith.index_cast %while3A_183 : i32 to index
        %swap3A_251 = arith.constant 112 : index
        %swap3A_252 = tpu.vector_load %arg7[%swap3A_250, %swap3A_251] {strides = array<i32>} : memref<64x768xf32, #tpu.memory_space<vmem>>, vector<1x16xf32>,
        %swap3A_253 = vector.shape_cast %swap3A_252 : vector<1x16xf32> to vector<16xf32>
        %swap3A_254 = vector.shape_cast %get3A_249 : vector<16xf32> to vector<1x16xf32>
        tpu.vector_store %arg7[%swap3A_250, %swap3A_251], %swap3A_254 {add = true, strides = array<i32>} : memref<64x768xf32, #tpu.memory_space<vmem>>, vector<1x16xf32>,
        %get3A_255 = arith.index_cast %while3A_183 : i32 to index
        %get3A_256 = arith.constant 128 : index
        %get3A_257 = tpu.vector_load %arg8[%get3A_255, %get3A_256] {strides = array<i32>} : memref<64x768xf32, #tpu.memory_space<vmem>>, vector<1x16xf32>,
        %get3A_258 = vector.shape_cast %get3A_257 : vector<1x16xf32> to vector<16xf32>
        %swap3A_259 = arith.index_cast %while3A_183 : i32 to index
        %swap3A_260 = arith.constant 128 : index
        %swap3A_261 = tpu.vector_load %arg7[%swap3A_259, %swap3A_260] {strides = array<i32>} : memref<64x768xf32, #tpu.memory_space<vmem>>, vector<1x16xf32>,
        %swap3A_262 = vector.shape_cast %swap3A_261 : vector<1x16xf32> to vector<16xf32>
        %swap3A_263 = vector.shape_cast %get3A_258 : vector<16xf32> to vector<1x16xf32>
        tpu.vector_store %arg7[%swap3A_259, %swap3A_260], %swap3A_263 {add = true, strides = array<i32>} : memref<64x768xf32, #tpu.memory_space<vmem>>, vector<1x16xf32>,
        %get3A_264 = arith.index_cast %while3A_183 : i32 to index
        %get3A_265 = arith.constant 144 : index
        %get3A_266 = tpu.vector_load %arg8[%get3A_264, %get3A_265] {strides = array<i32>} : memref<64x768xf32, #tpu.memory_space<vmem>>, vector<1x16xf32>,
        %get3A_267 = vector.shape_cast %get3A_266 : vector<1x16xf32> to vector<16xf32>
        %swap3A_268 = arith.index_cast %while3A_183 : i32 to index
        %swap3A_269 = arith.constant 144 : index
        %swap3A_270 = tpu.vector_load %arg7[%swap3A_268, %swap3A_269] {strides = array<i32>} : memref<64x768xf32, #tpu.memory_space<vmem>>, vector<1x16xf32>,
        %swap3A_271 = vector.shape_cast %swap3A_270 : vector<1x16xf32> to vector<16xf32>
        %swap3A_272 = vector.shape_cast %get3A_267 : vector<16xf32> to vector<1x16xf32>
        tpu.vector_store %arg7[%swap3A_268, %swap3A_269], %swap3A_272 {add = true, strides = array<i32>} : memref<64x768xf32, #tpu.memory_space<vmem>>, vector<1x16xf32>,
        %get3A_273 = arith.index_cast %while3A_183 : i32 to index
        %get3A_274 = arith.constant 160 : index
        %get3A_275 = tpu.vector_load %arg8[%get3A_273, %get3A_274] {strides = array<i32>} : memref<64x768xf32, #tpu.memory_space<vmem>>, vector<1x16xf32>,
        %get3A_276 = vector.shape_cast %get3A_275 : vector<1x16xf32> to vector<16xf32>
        %swap3A_277 = arith.index_cast %while3A_183 : i32 to index
        %swap3A_278 = arith.constant 160 : index
        %swap3A_279 = tpu.vector_load %arg7[%swap3A_277, %swap3A_278] {strides = array<i32>} : memref<64x768xf32, #tpu.memory_space<vmem>>, vector<1x16xf32>,
        %swap3A_280 = vector.shape_cast %swap3A_279 : vector<1x16xf32> to vector<16xf32>
        %swap3A_281 = vector.shape_cast %get3A_276 : vector<16xf32> to vector<1x16xf32>
        tpu.vector_store %arg7[%swap3A_277, %swap3A_278], %swap3A_281 {add = true, strides = array<i32>} : memref<64x768xf32, #tpu.memory_space<vmem>>, vector<1x16xf32>,
        %get3A_282 = arith.index_cast %while3A_183 : i32 to index
        %get3A_283 = arith.constant 176 : index
        %get3A_284 = tpu.vector_load %arg8[%get3A_282, %get3A_283] {strides = array<i32>} : memref<64x768xf32, #tpu.memory_space<vmem>>, vector<1x16xf32>,
        %get3A_285 = vector.shape_cast %get3A_284 : vector<1x16xf32> to vector<16xf32>
        %swap3A_286 = arith.index_cast %while3A_183 : i32 to index
        %swap3A_287 = arith.constant 176 : index
        %swap3A_288 = tpu.vector_load %arg7[%swap3A_286, %swap3A_287] {strides = array<i32>} : memref<64x768xf32, #tpu.memory_space<vmem>>, vector<1x16xf32>,
        %swap3A_289 = vector.shape_cast %swap3A_288 : vector<1x16xf32> to vector<16xf32>
        %swap3A_290 = vector.shape_cast %get3A_285 : vector<16xf32> to vector<1x16xf32>
        tpu.vector_store %arg7[%swap3A_286, %swap3A_287], %swap3A_290 {add = true, strides = array<i32>} : memref<64x768xf32, #tpu.memory_space<vmem>>, vector<1x16xf32>,
        %get3A_291 = arith.index_cast %while3A_183 : i32 to index
        %get3A_292 = arith.constant 192 : index
        %get3A_293 = tpu.vector_load %arg8[%get3A_291, %get3A_292] {strides = array<i32>} : memref<64x768xf32, #tpu.memory_space<vmem>>, vector<1x16xf32>,
        %get3A_294 = vector.shape_cast %get3A_293 : vector<1x16xf32> to vector<16xf32>
        %swap3A_295 = arith.index_cast %while3A_183 : i32 to index
        %swap3A_296 = arith.constant 192 : index
        %swap3A_297 = tpu.vector_load %arg7[%swap3A_295, %swap3A_296] {strides = array<i32>} : memref<64x768xf32, #tpu.memory_space<vmem>>, vector<1x16xf32>,
        %swap3A_298 = vector.shape_cast %swap3A_297 : vector<1x16xf32> to vector<16xf32>
        %swap3A_299 = vector.shape_cast %get3A_294 : vector<16xf32> to vector<1x16xf32>
        tpu.vector_store %arg7[%swap3A_295, %swap3A_296], %swap3A_299 {add = true, strides = array<i32>} : memref<64x768xf32, #tpu.memory_space<vmem>>, vector<1x16xf32>,
        %get3A_300 = arith.index_cast %while3A_183 : i32 to index
        %get3A_301 = arith.constant 208 : index
        %get3A_302 = tpu.vector_load %arg8[%get3A_300, %get3A_301] {strides = array<i32>} : memref<64x768xf32, #tpu.memory_space<vmem>>, vector<1x16xf32>,
        %get3A_303 = vector.shape_cast %get3A_302 : vector<1x16xf32> to vector<16xf32>
        %swap3A_304 = arith.index_cast %while3A_183 : i32 to index
        %swap3A_305 = arith.constant 208 : index
        %swap3A_306 = tpu.vector_load %arg7[%swap3A_304, %swap3A_305] {strides = array<i32>} : memref<64x768xf32, #tpu.memory_space<vmem>>, vector<1x16xf32>,
        %swap3A_307 = vector.shape_cast %swap3A_306 : vector<1x16xf32> to vector<16xf32>
        %swap3A_308 = vector.shape_cast %get3A_303 : vector<16xf32> to vector<1x16xf32>
        tpu.vector_store %arg7[%swap3A_304, %swap3A_305], %swap3A_308 {add = true, strides = array<i32>} : memref<64x768xf32, #tpu.memory_space<vmem>>, vector<1x16xf32>,
        %get3A_309 = arith.index_cast %while3A_183 : i32 to index
        %get3A_310 = arith.constant 224 : index
        %get3A_311 = tpu.vector_load %arg8[%get3A_309, %get3A_310] {strides = array<i32>} : memref<64x768xf32, #tpu.memory_space<vmem>>, vector<1x16xf32>,
        %get3A_312 = vector.shape_cast %get3A_311 : vector<1x16xf32> to vector<16xf32>
        %swap3A_313 = arith.index_cast %while3A_183 : i32 to index
        %swap3A_314 = arith.constant 224 : index
        %swap3A_315 = tpu.vector_load %arg7[%swap3A_313, %swap3A_314] {strides = array<i32>} : memref<64x768xf32, #tpu.memory_space<vmem>>, vector<1x16xf32>,
        %swap3A_316 = vector.shape_cast %swap3A_315 : vector<1x16xf32> to vector<16xf32>
        %swap3A_317 = vector.shape_cast %get3A_312 : vector<16xf32> to vector<1x16xf32>
        tpu.vector_store %arg7[%swap3A_313, %swap3A_314], %swap3A_317 {add = true, strides = array<i32>} : memref<64x768xf32, #tpu.memory_space<vmem>>, vector<1x16xf32>,
        %get3A_318 = arith.index_cast %while3A_183 : i32 to index
        %get3A_319 = arith.constant 240 : index
        %get3A_320 = tpu.vector_load %arg8[%get3A_318, %get3A_319] {strides = array<i32>} : memref<64x768xf32, #tpu.memory_space<vmem>>, vector<1x16xf32>,
        %get3A_321 = vector.shape_cast %get3A_320 : vector<1x16xf32> to vector<16xf32>
        %swap3A_322 = arith.index_cast %while3A_183 : i32 to index
        %swap3A_323 = arith.constant 240 : index
        %swap3A_324 = tpu.vector_load %arg7[%swap3A_322, %swap3A_323] {strides = array<i32>} : memref<64x768xf32, #tpu.memory_space<vmem>>, vector<1x16xf32>,
        %swap3A_325 = vector.shape_cast %swap3A_324 : vector<1x16xf32> to vector<16xf32>
        %swap3A_326 = vector.shape_cast %get3A_321 : vector<16xf32> to vector<1x16xf32>
        tpu.vector_store %arg7[%swap3A_322, %swap3A_323], %swap3A_326 {add = true, strides = array<i32>} : memref<64x768xf32, #tpu.memory_space<vmem>>, vector<1x16xf32>,
        %get3A_327 = arith.index_cast %while3A_183 : i32 to index
        %get3A_328 = arith.constant 256 : index
        %get3A_329 = tpu.vector_load %arg8[%get3A_327, %get3A_328] {strides = array<i32>} : memref<64x768xf32, #tpu.memory_space<vmem>>, vector<1x16xf32>,
        %get3A_330 = vector.shape_cast %get3A_329 : vector<1x16xf32> to vector<16xf32>
        %swap3A_331 = arith.index_cast %while3A_183 : i32 to index
        %swap3A_332 = arith.constant 256 : index
        %swap3A_333 = tpu.vector_load %arg7[%swap3A_331, %swap3A_332] {strides = array<i32>} : memref<64x768xf32, #tpu.memory_space<vmem>>, vector<1x16xf32>,
        %swap3A_334 = vector.shape_cast %swap3A_333 : vector<1x16xf32> to vector<16xf32>
        %swap3A_335 = vector.shape_cast %get3A_330 : vector<16xf32> to vector<1x16xf32>
        tpu.vector_store %arg7[%swap3A_331, %swap3A_332], %swap3A_335 {add = true, strides = array<i32>} : memref<64x768xf32, #tpu.memory_space<vmem>>, vector<1x16xf32>,
        %get3A_336 = arith.index_cast %while3A_183 : i32 to index
        %get3A_337 = arith.constant 272 : index
        %get3A_338 = tpu.vector_load %arg8[%get3A_336, %get3A_337] {strides = array<i32>} : memref<64x768xf32, #tpu.memory_space<vmem>>, vector<1x16xf32>,
        %get3A_339 = vector.shape_cast %get3A_338 : vector<1x16xf32> to vector<16xf32>
        %swap3A_340 = arith.index_cast %while3A_183 : i32 to index
        %swap3A_341 = arith.constant 272 : index
        %swap3A_342 = tpu.vector_load %arg7[%swap3A_340, %swap3A_341] {strides = array<i32>} : memref<64x768xf32, #tpu.memory_space<vmem>>, vector<1x16xf32>,
        %swap3A_343 = vector.shape_cast %swap3A_342 : vector<1x16xf32> to vector<16xf32>
        %swap3A_344 = vector.shape_cast %get3A_339 : vector<16xf32> to vector<1x16xf32>
        tpu.vector_store %arg7[%swap3A_340, %swap3A_341], %swap3A_344 {add = true, strides = array<i32>} : memref<64x768xf32, #tpu.memory_space<vmem>>, vector<1x16xf32>,
        %get3A_345 = arith.index_cast %while3A_183 : i32 to index
        %get3A_346 = arith.constant 288 : index
        %get3A_347 = tpu.vector_load %arg8[%get3A_345, %get3A_346] {strides = array<i32>} : memref<64x768xf32, #tpu.memory_space<vmem>>, vector<1x16xf32>,
        %get3A_348 = vector.shape_cast %get3A_347 : vector<1x16xf32> to vector<16xf32>
        %swap3A_349 = arith.index_cast %while3A_183 : i32 to index
        %swap3A_350 = arith.constant 288 : index
        %swap3A_351 = tpu.vector_load %arg7[%swap3A_349, %swap3A_350] {strides = array<i32>} : memref<64x768xf32, #tpu.memory_space<vmem>>, vector<1x16xf32>,
        %swap3A_352 = vector.shape_cast %swap3A_351 : vector<1x16xf32> to vector<16xf32>
        %swap3A_353 = vector.shape_cast %get3A_348 : vector<16xf32> to vector<1x16xf32>
        tpu.vector_store %arg7[%swap3A_349, %swap3A_350], %swap3A_353 {add = true, strides = array<i32>} : memref<64x768xf32, #tpu.memory_space<vmem>>, vector<1x16xf32>,
        %get3A_354 = arith.index_cast %while3A_183 : i32 to index
        %get3A_355 = arith.constant 304 : index
        %get3A_356 = tpu.vector_load %arg8[%get3A_354, %get3A_355] {strides = array<i32>} : memref<64x768xf32, #tpu.memory_space<vmem>>, vector<1x16xf32>,
        %get3A_357 = vector.shape_cast %get3A_356 : vector<1x16xf32> to vector<16xf32>
        %swap3A_358 = arith.index_cast %while3A_183 : i32 to index
        %swap3A_359 = arith.constant 304 : index
        %swap3A_360 = tpu.vector_load %arg7[%swap3A_358, %swap3A_359] {strides = array<i32>} : memref<64x768xf32, #tpu.memory_space<vmem>>, vector<1x16xf32>,
        %swap3A_361 = vector.shape_cast %swap3A_360 : vector<1x16xf32> to vector<16xf32>
        %swap3A_362 = vector.shape_cast %get3A_357 : vector<16xf32> to vector<1x16xf32>
        tpu.vector_store %arg7[%swap3A_358, %swap3A_359], %swap3A_362 {add = true, strides = array<i32>} : memref<64x768xf32, #tpu.memory_space<vmem>>, vector<1x16xf32>,
        %get3A_363 = arith.index_cast %while3A_183 : i32 to index
        %get3A_364 = arith.constant 320 : index
        %get3A_365 = tpu.vector_load %arg8[%get3A_363, %get3A_364] {strides = array<i32>} : memref<64x768xf32, #tpu.memory_space<vmem>>, vector<1x16xf32>,
        %get3A_366 = vector.shape_cast %get3A_365 : vector<1x16xf32> to vector<16xf32>
        %swap3A_367 = arith.index_cast %while3A_183 : i32 to index
        %swap3A_368 = arith.constant 320 : index
        %swap3A_369 = tpu.vector_load %arg7[%swap3A_367, %swap3A_368] {strides = array<i32>} : memref<64x768xf32, #tpu.memory_space<vmem>>, vector<1x16xf32>,
        %swap3A_370 = vector.shape_cast %swap3A_369 : vector<1x16xf32> to vector<16xf32>
        %swap3A_371 = vector.shape_cast %get3A_366 : vector<16xf32> to vector<1x16xf32>
        tpu.vector_store %arg7[%swap3A_367, %swap3A_368], %swap3A_371 {add = true, strides = array<i32>} : memref<64x768xf32, #tpu.memory_space<vmem>>, vector<1x16xf32>,
        %get3A_372 = arith.index_cast %while3A_183 : i32 to index
        %get3A_373 = arith.constant 336 : index
        %get3A_374 = tpu.vector_load %arg8[%get3A_372, %get3A_373] {strides = array<i32>} : memref<64x768xf32, #tpu.memory_space<vmem>>, vector<1x16xf32>,
        %get3A_375 = vector.shape_cast %get3A_374 : vector<1x16xf32> to vector<16xf32>
        %swap3A_376 = arith.index_cast %while3A_183 : i32 to index
        %swap3A_377 = arith.constant 336 : index
        %swap3A_378 = tpu.vector_load %arg7[%swap3A_376, %swap3A_377] {strides = array<i32>} : memref<64x768xf32, #tpu.memory_space<vmem>>, vector<1x16xf32>,
        %swap3A_379 = vector.shape_cast %swap3A_378 : vector<1x16xf32> to vector<16xf32>
        %swap3A_380 = vector.shape_cast %get3A_375 : vector<16xf32> to vector<1x16xf32>
        tpu.vector_store %arg7[%swap3A_376, %swap3A_377], %swap3A_380 {add = true, strides = array<i32>} : memref<64x768xf32, #tpu.memory_space<vmem>>, vector<1x16xf32>,
        %get3A_381 = arith.index_cast %while3A_183 : i32 to index
        %get3A_382 = arith.constant 352 : index
        %get3A_383 = tpu.vector_load %arg8[%get3A_381, %get3A_382] {strides = array<i32>} : memref<64x768xf32, #tpu.memory_space<vmem>>, vector<1x16xf32>,
        %get3A_384 = vector.shape_cast %get3A_383 : vector<1x16xf32> to vector<16xf32>
        %swap3A_385 = arith.index_cast %while3A_183 : i32 to index
        %swap3A_386 = arith.constant 352 : index
        %swap3A_387 = tpu.vector_load %arg7[%swap3A_385, %swap3A_386] {strides = array<i32>} : memref<64x768xf32, #tpu.memory_space<vmem>>, vector<1x16xf32>,
        %swap3A_388 = vector.shape_cast %swap3A_387 : vector<1x16xf32> to vector<16xf32>
        %swap3A_389 = vector.shape_cast %get3A_384 : vector<16xf32> to vector<1x16xf32>
        tpu.vector_store %arg7[%swap3A_385, %swap3A_386], %swap3A_389 {add = true, strides = array<i32>} : memref<64x768xf32, #tpu.memory_space<vmem>>, vector<1x16xf32>,
        %get3A_390 = arith.index_cast %while3A_183 : i32 to index
        %get3A_391 = arith.constant 368 : index
        %get3A_392 = tpu.vector_load %arg8[%get3A_390, %get3A_391] {strides = array<i32>} : memref<64x768xf32, #tpu.memory_space<vmem>>, vector<1x16xf32>,
        %get3A_393 = vector.shape_cast %get3A_392 : vector<1x16xf32> to vector<16xf32>
        %swap3A_394 = arith.index_cast %while3A_183 : i32 to index
        %swap3A_395 = arith.constant 368 : index
        %swap3A_396 = tpu.vector_load %arg7[%swap3A_394, %swap3A_395] {strides = array<i32>} : memref<64x768xf32, #tpu.memory_space<vmem>>, vector<1x16xf32>,
        %swap3A_397 = vector.shape_cast %swap3A_396 : vector<1x16xf32> to vector<16xf32>
        %swap3A_398 = vector.shape_cast %get3A_393 : vector<16xf32> to vector<1x16xf32>
        tpu.vector_store %arg7[%swap3A_394, %swap3A_395], %swap3A_398 {add = true, strides = array<i32>} : memref<64x768xf32, #tpu.memory_space<vmem>>, vector<1x16xf32>,
        %get3A_399 = arith.index_cast %while3A_183 : i32 to index
        %get3A_400 = arith.constant 384 : index
        %get3A_401 = tpu.vector_load %arg8[%get3A_399, %get3A_400] {strides = array<i32>} : memref<64x768xf32, #tpu.memory_space<vmem>>, vector<1x16xf32>,
        %get3A_402 = vector.shape_cast %get3A_401 : vector<1x16xf32> to vector<16xf32>
        %swap3A_403 = arith.index_cast %while3A_183 : i32 to index
        %swap3A_404 = arith.constant 384 : index
        %swap3A_405 = tpu.vector_load %arg7[%swap3A_403, %swap3A_404] {strides = array<i32>} : memref<64x768xf32, #tpu.memory_space<vmem>>, vector<1x16xf32>,
        %swap3A_406 = vector.shape_cast %swap3A_405 : vector<1x16xf32> to vector<16xf32>
        %swap3A_407 = vector.shape_cast %get3A_402 : vector<16xf32> to vector<1x16xf32>
        tpu.vector_store %arg7[%swap3A_403, %swap3A_404], %swap3A_407 {add = true, strides = array<i32>} : memref<64x768xf32, #tpu.memory_space<vmem>>, vector<1x16xf32>,
        %get3A_408 = arith.index_cast %while3A_183 : i32 to index
        %get3A_409 = arith.constant 400 : index
        %get3A_410 = tpu.vector_load %arg8[%get3A_408, %get3A_409] {strides = array<i32>} : memref<64x768xf32, #tpu.memory_space<vmem>>, vector<1x16xf32>,
        %get3A_411 = vector.shape_cast %get3A_410 : vector<1x16xf32> to vector<16xf32>
        %swap3A_412 = arith.index_cast %while3A_183 : i32 to index
        %swap3A_413 = arith.constant 400 : index
        %swap3A_414 = tpu.vector_load %arg7[%swap3A_412, %swap3A_413] {strides = array<i32>} : memref<64x768xf32, #tpu.memory_space<vmem>>, vector<1x16xf32>,
        %swap3A_415 = vector.shape_cast %swap3A_414 : vector<1x16xf32> to vector<16xf32>
        %swap3A_416 = vector.shape_cast %get3A_411 : vector<16xf32> to vector<1x16xf32>
        tpu.vector_store %arg7[%swap3A_412, %swap3A_413], %swap3A_416 {add = true, strides = array<i32>} : memref<64x768xf32, #tpu.memory_space<vmem>>, vector<1x16xf32>,
        %get3A_417 = arith.index_cast %while3A_183 : i32 to index
        %get3A_418 = arith.constant 416 : index
        %get3A_419 = tpu.vector_load %arg8[%get3A_417, %get3A_418] {strides = array<i32>} : memref<64x768xf32, #tpu.memory_space<vmem>>, vector<1x16xf32>,
        %get3A_420 = vector.shape_cast %get3A_419 : vector<1x16xf32> to vector<16xf32>
        %swap3A_421 = arith.index_cast %while3A_183 : i32 to index
        %swap3A_422 = arith.constant 416 : index
        %swap3A_423 = tpu.vector_load %arg7[%swap3A_421, %swap3A_422] {strides = array<i32>} : memref<64x768xf32, #tpu.memory_space<vmem>>, vector<1x16xf32>,
        %swap3A_424 = vector.shape_cast %swap3A_423 : vector<1x16xf32> to vector<16xf32>
        %swap3A_425 = vector.shape_cast %get3A_420 : vector<16xf32> to vector<1x16xf32>
        tpu.vector_store %arg7[%swap3A_421, %swap3A_422], %swap3A_425 {add = true, strides = array<i32>} : memref<64x768xf32, #tpu.memory_space<vmem>>, vector<1x16xf32>,
        %get3A_426 = arith.index_cast %while3A_183 : i32 to index
        %get3A_427 = arith.constant 432 : index
        %get3A_428 = tpu.vector_load %arg8[%get3A_426, %get3A_427] {strides = array<i32>} : memref<64x768xf32, #tpu.memory_space<vmem>>, vector<1x16xf32>,
        %get3A_429 = vector.shape_cast %get3A_428 : vector<1x16xf32> to vector<16xf32>
        %swap3A_430 = arith.index_cast %while3A_183 : i32 to index
        %swap3A_431 = arith.constant 432 : index
        %swap3A_432 = tpu.vector_load %arg7[%swap3A_430, %swap3A_431] {strides = array<i32>} : memref<64x768xf32, #tpu.memory_space<vmem>>, vector<1x16xf32>,
        %swap3A_433 = vector.shape_cast %swap3A_432 : vector<1x16xf32> to vector<16xf32>
        %swap3A_434 = vector.shape_cast %get3A_429 : vector<16xf32> to vector<1x16xf32>
        tpu.vector_store %arg7[%swap3A_430, %swap3A_431], %swap3A_434 {add = true, strides = array<i32>} : memref<64x768xf32, #tpu.memory_space<vmem>>, vector<1x16xf32>,
        %get3A_435 = arith.index_cast %while3A_183 : i32 to index
        %get3A_436 = arith.constant 448 : index
        %get3A_437 = tpu.vector_load %arg8[%get3A_435, %get3A_436] {strides = array<i32>} : memref<64x768xf32, #tpu.memory_space<vmem>>, vector<1x16xf32>,
        %get3A_438 = vector.shape_cast %get3A_437 : vector<1x16xf32> to vector<16xf32>
        %swap3A_439 = arith.index_cast %while3A_183 : i32 to index
        %swap3A_440 = arith.constant 448 : index
        %swap3A_441 = tpu.vector_load %arg7[%swap3A_439, %swap3A_440] {strides = array<i32>} : memref<64x768xf32, #tpu.memory_space<vmem>>, vector<1x16xf32>,
        %swap3A_442 = vector.shape_cast %swap3A_441 : vector<1x16xf32> to vector<16xf32>
        %swap3A_443 = vector.shape_cast %get3A_438 : vector<16xf32> to vector<1x16xf32>
        tpu.vector_store %arg7[%swap3A_439, %swap3A_440], %swap3A_443 {add = true, strides = array<i32>} : memref<64x768xf32, #tpu.memory_space<vmem>>, vector<1x16xf32>,
        %get3A_444 = arith.index_cast %while3A_183 : i32 to index
        %get3A_445 = arith.constant 464 : index
        %get3A_446 = tpu.vector_load %arg8[%get3A_444, %get3A_445] {strides = array<i32>} : memref<64x768xf32, #tpu.memory_space<vmem>>, vector<1x16xf32>,
        %get3A_447 = vector.shape_cast %get3A_446 : vector<1x16xf32> to vector<16xf32>
        %swap3A_448 = arith.index_cast %while3A_183 : i32 to index
        %swap3A_449 = arith.constant 464 : index
        %swap3A_450 = tpu.vector_load %arg7[%swap3A_448, %swap3A_449] {strides = array<i32>} : memref<64x768xf32, #tpu.memory_space<vmem>>, vector<1x16xf32>,
        %swap3A_451 = vector.shape_cast %swap3A_450 : vector<1x16xf32> to vector<16xf32>
        %swap3A_452 = vector.shape_cast %get3A_447 : vector<16xf32> to vector<1x16xf32>
        tpu.vector_store %arg7[%swap3A_448, %swap3A_449], %swap3A_452 {add = true, strides = array<i32>} : memref<64x768xf32, #tpu.memory_space<vmem>>, vector<1x16xf32>,
        %get3A_453 = arith.index_cast %while3A_183 : i32 to index
        %get3A_454 = arith.constant 480 : index
        %get3A_455 = tpu.vector_load %arg8[%get3A_453, %get3A_454] {strides = array<i32>} : memref<64x768xf32, #tpu.memory_space<vmem>>, vector<1x16xf32>,
        %get3A_456 = vector.shape_cast %get3A_455 : vector<1x16xf32> to vector<16xf32>
        %swap3A_457 = arith.index_cast %while3A_183 : i32 to index
        %swap3A_458 = arith.constant 480 : index
        %swap3A_459 = tpu.vector_load %arg7[%swap3A_457, %swap3A_458] {strides = array<i32>} : memref<64x768xf32, #tpu.memory_space<vmem>>, vector<1x16xf32>,
        %swap3A_460 = vector.shape_cast %swap3A_459 : vector<1x16xf32> to vector<16xf32>
        %swap3A_461 = vector.shape_cast %get3A_456 : vector<16xf32> to vector<1x16xf32>
        tpu.vector_store %arg7[%swap3A_457, %swap3A_458], %swap3A_461 {add = true, strides = array<i32>} : memref<64x768xf32, #tpu.memory_space<vmem>>, vector<1x16xf32>,
        %get3A_462 = arith.index_cast %while3A_183 : i32 to index
        %get3A_463 = arith.constant 496 : index
        %get3A_464 = tpu.vector_load %arg8[%get3A_462, %get3A_463] {strides = array<i32>} : memref<64x768xf32, #tpu.memory_space<vmem>>, vector<1x16xf32>,
        %get3A_465 = vector.shape_cast %get3A_464 : vector<1x16xf32> to vector<16xf32>
        %swap3A_466 = arith.index_cast %while3A_183 : i32 to index
        %swap3A_467 = arith.constant 496 : index
        %swap3A_468 = tpu.vector_load %arg7[%swap3A_466, %swap3A_467] {strides = array<i32>} : memref<64x768xf32, #tpu.memory_space<vmem>>, vector<1x16xf32>,
        %swap3A_469 = vector.shape_cast %swap3A_468 : vector<1x16xf32> to vector<16xf32>
        %swap3A_470 = vector.shape_cast %get3A_465 : vector<16xf32> to vector<1x16xf32>
        tpu.vector_store %arg7[%swap3A_466, %swap3A_467], %swap3A_470 {add = true, strides = array<i32>} : memref<64x768xf32, #tpu.memory_space<vmem>>, vector<1x16xf32>,
        %get3A_471 = arith.index_cast %while3A_183 : i32 to index
        %get3A_472 = arith.constant 512 : index
        %get3A_473 = tpu.vector_load %arg8[%get3A_471, %get3A_472] {strides = array<i32>} : memref<64x768xf32, #tpu.memory_space<vmem>>, vector<1x16xf32>,
        %get3A_474 = vector.shape_cast %get3A_473 : vector<1x16xf32> to vector<16xf32>
        %swap3A_475 = arith.index_cast %while3A_183 : i32 to index
        %swap3A_476 = arith.constant 512 : index
        %swap3A_477 = tpu.vector_load %arg7[%swap3A_475, %swap3A_476] {strides = array<i32>} : memref<64x768xf32, #tpu.memory_space<vmem>>, vector<1x16xf32>,
        %swap3A_478 = vector.shape_cast %swap3A_477 : vector<1x16xf32> to vector<16xf32>
        %swap3A_479 = vector.shape_cast %get3A_474 : vector<16xf32> to vector<1x16xf32>
        tpu.vector_store %arg7[%swap3A_475, %swap3A_476], %swap3A_479 {add = true, strides = array<i32>} : memref<64x768xf32, #tpu.memory_space<vmem>>, vector<1x16xf32>,
        %get3A_480 = arith.index_cast %while3A_183 : i32 to index
        %get3A_481 = arith.constant 528 : index
        %get3A_482 = tpu.vector_load %arg8[%get3A_480, %get3A_481] {strides = array<i32>} : memref<64x768xf32, #tpu.memory_space<vmem>>, vector<1x16xf32>,
        %get3A_483 = vector.shape_cast %get3A_482 : vector<1x16xf32> to vector<16xf32>
        %swap3A_484 = arith.index_cast %while3A_183 : i32 to index
        %swap3A_485 = arith.constant 528 : index
        %swap3A_486 = tpu.vector_load %arg7[%swap3A_484, %swap3A_485] {strides = array<i32>} : memref<64x768xf32, #tpu.memory_space<vmem>>, vector<1x16xf32>,
        %swap3A_487 = vector.shape_cast %swap3A_486 : vector<1x16xf32> to vector<16xf32>
        %swap3A_488 = vector.shape_cast %get3A_483 : vector<16xf32> to vector<1x16xf32>
        tpu.vector_store %arg7[%swap3A_484, %swap3A_485], %swap3A_488 {add = true, strides = array<i32>} : memref<64x768xf32, #tpu.memory_space<vmem>>, vector<1x16xf32>,
        %get3A_489 = arith.index_cast %while3A_183 : i32 to index
        %get3A_490 = arith.constant 544 : index
        %get3A_491 = tpu.vector_load %arg8[%get3A_489, %get3A_490] {strides = array<i32>} : memref<64x768xf32, #tpu.memory_space<vmem>>, vector<1x16xf32>,
        %get3A_492 = vector.shape_cast %get3A_491 : vector<1x16xf32> to vector<16xf32>
        %swap3A_493 = arith.index_cast %while3A_183 : i32 to index
        %swap3A_494 = arith.constant 544 : index
        %swap3A_495 = tpu.vector_load %arg7[%swap3A_493, %swap3A_494] {strides = array<i32>} : memref<64x768xf32, #tpu.memory_space<vmem>>, vector<1x16xf32>,
        %swap3A_496 = vector.shape_cast %swap3A_495 : vector<1x16xf32> to vector<16xf32>
        %swap3A_497 = vector.shape_cast %get3A_492 : vector<16xf32> to vector<1x16xf32>
        tpu.vector_store %arg7[%swap3A_493, %swap3A_494], %swap3A_497 {add = true, strides = array<i32>} : memref<64x768xf32, #tpu.memory_space<vmem>>, vector<1x16xf32>,
        %get3A_498 = arith.index_cast %while3A_183 : i32 to index
        %get3A_499 = arith.constant 560 : index
        %get3A_500 = tpu.vector_load %arg8[%get3A_498, %get3A_499] {strides = array<i32>} : memref<64x768xf32, #tpu.memory_space<vmem>>, vector<1x16xf32>,
        %get3A_501 = vector.shape_cast %get3A_500 : vector<1x16xf32> to vector<16xf32>
        %swap3A_502 = arith.index_cast %while3A_183 : i32 to index
        %swap3A_503 = arith.constant 560 : index
        %swap3A_504 = tpu.vector_load %arg7[%swap3A_502, %swap3A_503] {strides = array<i32>} : memref<64x768xf32, #tpu.memory_space<vmem>>, vector<1x16xf32>,
        %swap3A_505 = vector.shape_cast %swap3A_504 : vector<1x16xf32> to vector<16xf32>
        %swap3A_506 = vector.shape_cast %get3A_501 : vector<16xf32> to vector<1x16xf32>
        tpu.vector_store %arg7[%swap3A_502, %swap3A_503], %swap3A_506 {add = true, strides = array<i32>} : memref<64x768xf32, #tpu.memory_space<vmem>>, vector<1x16xf32>,
        %get3A_507 = arith.index_cast %while3A_183 : i32 to index
        %get3A_508 = arith.constant 576 : index
        %get3A_509 = tpu.vector_load %arg8[%get3A_507, %get3A_508] {strides = array<i32>} : memref<64x768xf32, #tpu.memory_space<vmem>>, vector<1x16xf32>,
        %get3A_510 = vector.shape_cast %get3A_509 : vector<1x16xf32> to vector<16xf32>
        %swap3A_511 = arith.index_cast %while3A_183 : i32 to index
        %swap3A_512 = arith.constant 576 : index
        %swap3A_513 = tpu.vector_load %arg7[%swap3A_511, %swap3A_512] {strides = array<i32>} : memref<64x768xf32, #tpu.memory_space<vmem>>, vector<1x16xf32>,
        %swap3A_514 = vector.shape_cast %swap3A_513 : vector<1x16xf32> to vector<16xf32>
        %swap3A_515 = vector.shape_cast %get3A_510 : vector<16xf32> to vector<1x16xf32>
        tpu.vector_store %arg7[%swap3A_511, %swap3A_512], %swap3A_515 {add = true, strides = array<i32>} : memref<64x768xf32, #tpu.memory_space<vmem>>, vector<1x16xf32>,
        %get3A_516 = arith.index_cast %while3A_183 : i32 to index
        %get3A_517 = arith.constant 592 : index
        %get3A_518 = tpu.vector_load %arg8[%get3A_516, %get3A_517] {strides = array<i32>} : memref<64x768xf32, #tpu.memory_space<vmem>>, vector<1x16xf32>,
        %get3A_519 = vector.shape_cast %get3A_518 : vector<1x16xf32> to vector<16xf32>
        %swap3A_520 = arith.index_cast %while3A_183 : i32 to index
        %swap3A_521 = arith.constant 592 : index
        %swap3A_522 = tpu.vector_load %arg7[%swap3A_520, %swap3A_521] {strides = array<i32>} : memref<64x768xf32, #tpu.memory_space<vmem>>, vector<1x16xf32>,
        %swap3A_523 = vector.shape_cast %swap3A_522 : vector<1x16xf32> to vector<16xf32>
        %swap3A_524 = vector.shape_cast %get3A_519 : vector<16xf32> to vector<1x16xf32>
        tpu.vector_store %arg7[%swap3A_520, %swap3A_521], %swap3A_524 {add = true, strides = array<i32>} : memref<64x768xf32, #tpu.memory_space<vmem>>, vector<1x16xf32>,
        %get3A_525 = arith.index_cast %while3A_183 : i32 to index
        %get3A_526 = arith.constant 608 : index
        %get3A_527 = tpu.vector_load %arg8[%get3A_525, %get3A_526] {strides = array<i32>} : memref<64x768xf32, #tpu.memory_space<vmem>>, vector<1x16xf32>,
        %get3A_528 = vector.shape_cast %get3A_527 : vector<1x16xf32> to vector<16xf32>
        %swap3A_529 = arith.index_cast %while3A_183 : i32 to index
        %swap3A_530 = arith.constant 608 : index
        %swap3A_531 = tpu.vector_load %arg7[%swap3A_529, %swap3A_530] {strides = array<i32>} : memref<64x768xf32, #tpu.memory_space<vmem>>, vector<1x16xf32>,
        %swap3A_532 = vector.shape_cast %swap3A_531 : vector<1x16xf32> to vector<16xf32>
        %swap3A_533 = vector.shape_cast %get3A_528 : vector<16xf32> to vector<1x16xf32>
        tpu.vector_store %arg7[%swap3A_529, %swap3A_530], %swap3A_533 {add = true, strides = array<i32>} : memref<64x768xf32, #tpu.memory_space<vmem>>, vector<1x16xf32>,
        %get3A_534 = arith.index_cast %while3A_183 : i32 to index
        %get3A_535 = arith.constant 624 : index
        %get3A_536 = tpu.vector_load %arg8[%get3A_534, %get3A_535] {strides = array<i32>} : memref<64x768xf32, #tpu.memory_space<vmem>>, vector<1x16xf32>,
        %get3A_537 = vector.shape_cast %get3A_536 : vector<1x16xf32> to vector<16xf32>
        %swap3A_538 = arith.index_cast %while3A_183 : i32 to index
        %swap3A_539 = arith.constant 624 : index
        %swap3A_540 = tpu.vector_load %arg7[%swap3A_538, %swap3A_539] {strides = array<i32>} : memref<64x768xf32, #tpu.memory_space<vmem>>, vector<1x16xf32>,
        %swap3A_541 = vector.shape_cast %swap3A_540 : vector<1x16xf32> to vector<16xf32>
        %swap3A_542 = vector.shape_cast %get3A_537 : vector<16xf32> to vector<1x16xf32>
        tpu.vector_store %arg7[%swap3A_538, %swap3A_539], %swap3A_542 {add = true, strides = array<i32>} : memref<64x768xf32, #tpu.memory_space<vmem>>, vector<1x16xf32>,
        %get3A_543 = arith.index_cast %while3A_183 : i32 to index
        %get3A_544 = arith.constant 640 : index
        %get3A_545 = tpu.vector_load %arg8[%get3A_543, %get3A_544] {strides = array<i32>} : memref<64x768xf32, #tpu.memory_space<vmem>>, vector<1x16xf32>,
        %get3A_546 = vector.shape_cast %get3A_545 : vector<1x16xf32> to vector<16xf32>
        %swap3A_547 = arith.index_cast %while3A_183 : i32 to index
        %swap3A_548 = arith.constant 640 : index
        %swap3A_549 = tpu.vector_load %arg7[%swap3A_547, %swap3A_548] {strides = array<i32>} : memref<64x768xf32, #tpu.memory_space<vmem>>, vector<1x16xf32>,
        %swap3A_550 = vector.shape_cast %swap3A_549 : vector<1x16xf32> to vector<16xf32>
        %swap3A_551 = vector.shape_cast %get3A_546 : vector<16xf32> to vector<1x16xf32>
        tpu.vector_store %arg7[%swap3A_547, %swap3A_548], %swap3A_551 {add = true, strides = array<i32>} : memref<64x768xf32, #tpu.memory_space<vmem>>, vector<1x16xf32>,
        %get3A_552 = arith.index_cast %while3A_183 : i32 to index
        %get3A_553 = arith.constant 656 : index
        %get3A_554 = tpu.vector_load %arg8[%get3A_552, %get3A_553] {strides = array<i32>} : memref<64x768xf32, #tpu.memory_space<vmem>>, vector<1x16xf32>,
        %get3A_555 = vector.shape_cast %get3A_554 : vector<1x16xf32> to vector<16xf32>
        %swap3A_556 = arith.index_cast %while3A_183 : i32 to index
        %swap3A_557 = arith.constant 656 : index
        %swap3A_558 = tpu.vector_load %arg7[%swap3A_556, %swap3A_557] {strides = array<i32>} : memref<64x768xf32, #tpu.memory_space<vmem>>, vector<1x16xf32>,
        %swap3A_559 = vector.shape_cast %swap3A_558 : vector<1x16xf32> to vector<16xf32>
        %swap3A_560 = vector.shape_cast %get3A_555 : vector<16xf32> to vector<1x16xf32>
        tpu.vector_store %arg7[%swap3A_556, %swap3A_557], %swap3A_560 {add = true, strides = array<i32>} : memref<64x768xf32, #tpu.memory_space<vmem>>, vector<1x16xf32>,
        %get3A_561 = arith.index_cast %while3A_183 : i32 to index
        %get3A_562 = arith.constant 672 : index
        %get3A_563 = tpu.vector_load %arg8[%get3A_561, %get3A_562] {strides = array<i32>} : memref<64x768xf32, #tpu.memory_space<vmem>>, vector<1x16xf32>,
        %get3A_564 = vector.shape_cast %get3A_563 : vector<1x16xf32> to vector<16xf32>
        %swap3A_565 = arith.index_cast %while3A_183 : i32 to index
        %swap3A_566 = arith.constant 672 : index
        %swap3A_567 = tpu.vector_load %arg7[%swap3A_565, %swap3A_566] {strides = array<i32>} : memref<64x768xf32, #tpu.memory_space<vmem>>, vector<1x16xf32>,
        %swap3A_568 = vector.shape_cast %swap3A_567 : vector<1x16xf32> to vector<16xf32>
        %swap3A_569 = vector.shape_cast %get3A_564 : vector<16xf32> to vector<1x16xf32>
        tpu.vector_store %arg7[%swap3A_565, %swap3A_566], %swap3A_569 {add = true, strides = array<i32>} : memref<64x768xf32, #tpu.memory_space<vmem>>, vector<1x16xf32>,
        %get3A_570 = arith.index_cast %while3A_183 : i32 to index
        %get3A_571 = arith.constant 688 : index
        %get3A_572 = tpu.vector_load %arg8[%get3A_570, %get3A_571] {strides = array<i32>} : memref<64x768xf32, #tpu.memory_space<vmem>>, vector<1x16xf32>,
        %get3A_573 = vector.shape_cast %get3A_572 : vector<1x16xf32> to vector<16xf32>
        %swap3A_574 = arith.index_cast %while3A_183 : i32 to index
        %swap3A_575 = arith.constant 688 : index
        %swap3A_576 = tpu.vector_load %arg7[%swap3A_574, %swap3A_575] {strides = array<i32>} : memref<64x768xf32, #tpu.memory_space<vmem>>, vector<1x16xf32>,
        %swap3A_577 = vector.shape_cast %swap3A_576 : vector<1x16xf32> to vector<16xf32>
        %swap3A_578 = vector.shape_cast %get3A_573 : vector<16xf32> to vector<1x16xf32>
        tpu.vector_store %arg7[%swap3A_574, %swap3A_575], %swap3A_578 {add = true, strides = array<i32>} : memref<64x768xf32, #tpu.memory_space<vmem>>, vector<1x16xf32>,
        %get3A_579 = arith.index_cast %while3A_183 : i32 to index
        %get3A_580 = arith.constant 704 : index
        %get3A_581 = tpu.vector_load %arg8[%get3A_579, %get3A_580] {strides = array<i32>} : memref<64x768xf32, #tpu.memory_space<vmem>>, vector<1x16xf32>,
        %get3A_582 = vector.shape_cast %get3A_581 : vector<1x16xf32> to vector<16xf32>
        %swap3A_583 = arith.index_cast %while3A_183 : i32 to index
        %swap3A_584 = arith.constant 704 : index
        %swap3A_585 = tpu.vector_load %arg7[%swap3A_583, %swap3A_584] {strides = array<i32>} : memref<64x768xf32, #tpu.memory_space<vmem>>, vector<1x16xf32>,
        %swap3A_586 = vector.shape_cast %swap3A_585 : vector<1x16xf32> to vector<16xf32>
        %swap3A_587 = vector.shape_cast %get3A_582 : vector<16xf32> to vector<1x16xf32>
        tpu.vector_store %arg7[%swap3A_583, %swap3A_584], %swap3A_587 {add = true, strides = array<i32>} : memref<64x768xf32, #tpu.memory_space<vmem>>, vector<1x16xf32>,
        %get3A_588 = arith.index_cast %while3A_183 : i32 to index
        %get3A_589 = arith.constant 720 : index
        %get3A_590 = tpu.vector_load %arg8[%get3A_588, %get3A_589] {strides = array<i32>} : memref<64x768xf32, #tpu.memory_space<vmem>>, vector<1x16xf32>,
        %get3A_591 = vector.shape_cast %get3A_590 : vector<1x16xf32> to vector<16xf32>
        %swap3A_592 = arith.index_cast %while3A_183 : i32 to index
        %swap3A_593 = arith.constant 720 : index
        %swap3A_594 = tpu.vector_load %arg7[%swap3A_592, %swap3A_593] {strides = array<i32>} : memref<64x768xf32, #tpu.memory_space<vmem>>, vector<1x16xf32>,
        %swap3A_595 = vector.shape_cast %swap3A_594 : vector<1x16xf32> to vector<16xf32>
        %swap3A_596 = vector.shape_cast %get3A_591 : vector<16xf32> to vector<1x16xf32>
        tpu.vector_store %arg7[%swap3A_592, %swap3A_593], %swap3A_596 {add = true, strides = array<i32>} : memref<64x768xf32, #tpu.memory_space<vmem>>, vector<1x16xf32>,
        %get3A_597 = arith.index_cast %while3A_183 : i32 to index
        %get3A_598 = arith.constant 736 : index
        %get3A_599 = tpu.vector_load %arg8[%get3A_597, %get3A_598] {strides = array<i32>} : memref<64x768xf32, #tpu.memory_space<vmem>>, vector<1x16xf32>,
        %get3A_600 = vector.shape_cast %get3A_599 : vector<1x16xf32> to vector<16xf32>
        %swap3A_601 = arith.index_cast %while3A_183 : i32 to index
        %swap3A_602 = arith.constant 736 : index
        %swap3A_603 = tpu.vector_load %arg7[%swap3A_601, %swap3A_602] {strides = array<i32>} : memref<64x768xf32, #tpu.memory_space<vmem>>, vector<1x16xf32>,
        %swap3A_604 = vector.shape_cast %swap3A_603 : vector<1x16xf32> to vector<16xf32>
        %swap3A_605 = vector.shape_cast %get3A_600 : vector<16xf32> to vector<1x16xf32>
        tpu.vector_store %arg7[%swap3A_601, %swap3A_602], %swap3A_605 {add = true, strides = array<i32>} : memref<64x768xf32, #tpu.memory_space<vmem>>, vector<1x16xf32>,
        %get3A_606 = arith.index_cast %while3A_183 : i32 to index
        %get3A_607 = arith.constant 752 : index
        %get3A_608 = tpu.vector_load %arg8[%get3A_606, %get3A_607] {strides = array<i32>} : memref<64x768xf32, #tpu.memory_space<vmem>>, vector<1x16xf32>,
        %get3A_609 = vector.shape_cast %get3A_608 : vector<1x16xf32> to vector<16xf32>
        %swap3A_610 = arith.index_cast %while3A_183 : i32 to index
        %swap3A_611 = arith.constant 752 : index
        %swap3A_612 = tpu.vector_load %arg7[%swap3A_610, %swap3A_611] {strides = array<i32>} : memref<64x768xf32, #tpu.memory_space<vmem>>, vector<1x16xf32>,
        %swap3A_613 = vector.shape_cast %swap3A_612 : vector<1x16xf32> to vector<16xf32>
        %swap3A_614 = vector.shape_cast %get3A_609 : vector<16xf32> to vector<1x16xf32>
        tpu.vector_store %arg7[%swap3A_610, %swap3A_611], %swap3A_614 {add = true, strides = array<i32>} : memref<64x768xf32, #tpu.memory_space<vmem>>, vector<1x16xf32>,
      }
      %add3A_174 = arith.addi %mul3A_2, %mul3A_139 : i32
      %dma_start3A_175 = arith.constant 0 : i32
      %dma_start3A_176 = tpu.memref_slice %arg7[%mul3A_139, %dma_start3A_175] : memref<64x768xf32, #tpu.memory_space<vmem>> -> memref<16x768xf32, #tpu.memory_space<vmem>>
      %dma_start3A_177 = arith.constant 0 : i32
      %dma_start3A_178 = tpu.memref_slice %arg5[%add3A_174, %dma_start3A_177] : memref<2048x768xf32, #tpu.memory_space<hbm>> -> memref<16x768xf32, #tpu.memory_space<hbm>>
      %dma_start3A_179 = arith.constant 0 : i32
      %dma_start3A_180 = tpu.memref_slice %arg5[%add3A_174, %dma_start3A_179] : memref<2048x768xf32, #tpu.memory_space<hbm>> -> memref<16x768xf32, #tpu.memory_space<hbm>>
      %dma_start3A_181 = arith.constant 0 : i32
      %dma_start3A_182 = tpu.memref_slice %arg7[%mul3A_139, %dma_start3A_181] : memref<64x768xf32, #tpu.memory_space<vmem>> -> memref<16x768xf32, #tpu.memory_space<vmem>>
      tpu.enqueue_dma source(%dma_start3A_182 : memref<16x768xf32, #tpu.memory_space<vmem>>) target(%dma_start3A_180 : memref<16x768xf32, #tpu.memory_space<hbm>>) target_semaphore(%arg11 : memref<!tpu.dma_semaphore, #tpu.memory_space<semaphore_mem>>)
    }
    %scan3A_89 = arith.constant 4 : i32
    %dma_wait3A = arith.constant 0 : i32
    %dma_wait3A_90 = arith.constant 0 : i32
    %dma_wait3A_91 = tpu.memref_slice %arg7[%dma_wait3A, %dma_wait3A_90] : memref<64x768xf32, #tpu.memory_space<vmem>> -> memref<16x768xf32, #tpu.memory_space<vmem>>
    %dma_wait3A_92 = arith.constant 0 : i32
    %dma_wait3A_93 = arith.constant 0 : i32
    %dma_wait3A_94 = tpu.memref_slice %arg5[%dma_wait3A_92, %dma_wait3A_93] : memref<2048x768xf32, #tpu.memory_space<hbm>> -> memref<16x768xf32, #tpu.memory_space<hbm>>
    %dma_wait3A_95 = arith.constant 0 : i32
    %dma_wait3A_96 = arith.constant 0 : i32
    %dma_wait3A_97 = tpu.memref_slice %arg5[%dma_wait3A_95, %dma_wait3A_96] : memref<2048x768xf32, #tpu.memory_space<hbm>> -> memref<16x768xf32, #tpu.memory_space<hbm>>
    %dma_wait3A_98 = arith.constant 0 : i32
    %dma_wait3A_99 = arith.constant 0 : i32
    %dma_wait3A_100 = tpu.memref_slice %arg7[%dma_wait3A_98, %dma_wait3A_99] : memref<64x768xf32, #tpu.memory_space<vmem>> -> memref<16x768xf32, #tpu.memory_space<vmem>>
    tpu.wait_dma2 semaphore(%arg11 : memref<!tpu.dma_semaphore, #tpu.memory_space<semaphore_mem>>) src(%dma_wait3A_100 : memref<16x768xf32, #tpu.memory_space<vmem>>) dst(%dma_wait3A_97 : memref<16x768xf32, #tpu.memory_space<hbm>>)
    %dma_wait3A_101 = arith.constant 0 : i32
    %dma_wait3A_102 = arith.constant 0 : i32
    %dma_wait3A_103 = tpu.memref_slice %arg7[%dma_wait3A_101, %dma_wait3A_102] : memref<64x768xf32, #tpu.memory_space<vmem>> -> memref<16x768xf32, #tpu.memory_space<vmem>>
    %dma_wait3A_104 = arith.constant 0 : i32
    %dma_wait3A_105 = arith.constant 0 : i32
    %dma_wait3A_106 = tpu.memref_slice %arg5[%dma_wait3A_104, %dma_wait3A_105] : memref<2048x768xf32, #tpu.memory_space<hbm>> -> memref<16x768xf32, #tpu.memory_space<hbm>>
    %dma_wait3A_107 = arith.constant 0 : i32
    %dma_wait3A_108 = arith.constant 0 : i32
    %dma_wait3A_109 = tpu.memref_slice %arg5[%dma_wait3A_107, %dma_wait3A_108] : memref<2048x768xf32, #tpu.memory_space<hbm>> -> memref<16x768xf32, #tpu.memory_space<hbm>>
    %dma_wait3A_110 = arith.constant 0 : i32
    %dma_wait3A_111 = arith.constant 0 : i32
    %dma_wait3A_112 = tpu.memref_slice %arg7[%dma_wait3A_110, %dma_wait3A_111] : memref<64x768xf32, #tpu.memory_space<vmem>> -> memref<16x768xf32, #tpu.memory_space<vmem>>
    tpu.wait_dma2 semaphore(%arg11 : memref<!tpu.dma_semaphore, #tpu.memory_space<semaphore_mem>>) src(%dma_wait3A_112 : memref<16x768xf32, #tpu.memory_space<vmem>>) dst(%dma_wait3A_109 : memref<16x768xf32, #tpu.memory_space<hbm>>)
    %dma_wait3A_113 = arith.constant 0 : i32
    %dma_wait3A_114 = arith.constant 0 : i32
    %dma_wait3A_115 = tpu.memref_slice %arg7[%dma_wait3A_113, %dma_wait3A_114] : memref<64x768xf32, #tpu.memory_space<vmem>> -> memref<16x768xf32, #tpu.memory_space<vmem>>
    %dma_wait3A_116 = arith.constant 0 : i32
    %dma_wait3A_117 = arith.constant 0 : i32
    %dma_wait3A_118 = tpu.memref_slice %arg5[%dma_wait3A_116, %dma_wait3A_117] : memref<2048x768xf32, #tpu.memory_space<hbm>> -> memref<16x768xf32, #tpu.memory_space<hbm>>
    %dma_wait3A_119 = arith.constant 0 : i32
    %dma_wait3A_120 = arith.constant 0 : i32
    %dma_wait3A_121 = tpu.memref_slice %arg5[%dma_wait3A_119, %dma_wait3A_120] : memref<2048x768xf32, #tpu.memory_space<hbm>> -> memref<16x768xf32, #tpu.memory_space<hbm>>
    %dma_wait3A_122 = arith.constant 0 : i32
    %dma_wait3A_123 = arith.constant 0 : i32
    %dma_wait3A_124 = tpu.memref_slice %arg7[%dma_wait3A_122, %dma_wait3A_123] : memref<64x768xf32, #tpu.memory_space<vmem>> -> memref<16x768xf32, #tpu.memory_space<vmem>>
    tpu.wait_dma2 semaphore(%arg11 : memref<!tpu.dma_semaphore, #tpu.memory_space<semaphore_mem>>) src(%dma_wait3A_124 : memref<16x768xf32, #tpu.memory_space<vmem>>) dst(%dma_wait3A_121 : memref<16x768xf32, #tpu.memory_space<hbm>>)
    %dma_wait3A_125 = arith.constant 0 : i32
    %dma_wait3A_126 = arith.constant 0 : i32
    %dma_wait3A_127 = tpu.memref_slice %arg7[%dma_wait3A_125, %dma_wait3A_126] : memref<64x768xf32, #tpu.memory_space<vmem>> -> memref<16x768xf32, #tpu.memory_space<vmem>>
    %dma_wait3A_128 = arith.constant 0 : i32
    %dma_wait3A_129 = arith.constant 0 : i32
    %dma_wait3A_130 = tpu.memref_slice %arg5[%dma_wait3A_128, %dma_wait3A_129] : memref<2048x768xf32, #tpu.memory_space<hbm>> -> memref<16x768xf32, #tpu.memory_space<hbm>>
    %dma_wait3A_131 = arith.constant 0 : i32
    %dma_wait3A_132 = arith.constant 0 : i32
    %dma_wait3A_133 = tpu.memref_slice %arg5[%dma_wait3A_131, %dma_wait3A_132] : memref<2048x768xf32, #tpu.memory_space<hbm>> -> memref<16x768xf32, #tpu.memory_space<hbm>>
    %dma_wait3A_134 = arith.constant 0 : i32
    %dma_wait3A_135 = arith.constant 0 : i32
    %dma_wait3A_136 = tpu.memref_slice %arg7[%dma_wait3A_134, %dma_wait3A_135] : memref<64x768xf32, #tpu.memory_space<vmem>> -> memref<16x768xf32, #tpu.memory_space<vmem>>
    tpu.wait_dma2 semaphore(%arg11 : memref<!tpu.dma_semaphore, #tpu.memory_space<semaphore_mem>>) src(%dma_wait3A_136 : memref<16x768xf32, #tpu.memory_space<vmem>>) dst(%dma_wait3A_133 : memref<16x768xf32, #tpu.memory_space<hbm>>)
    return
  }
}

</mosaic_0001>

<sc_bundles>
// kernel: kernel.3.cloned.1.call-start
scs
__scs_entry_jumppad:
0x0: {  	(pc) =	sbr.rel $0x88, $3  }
0x1: {  	(tag) =	ssettag $0x0;
	lr =	simm.s32 $0x1  }
0x2: {  	[smem:$0x3F9E] =	sst lr;
	_ =	strace $0xD0000000  }
0x3: {  	_ = 	snop  }
0x4: {  	_ = 	snop  }
0x5: {  	_ = 	snop  }
0x6: {  	_ = 	snop  }
0x7: {  	_ = 	snop  }
__scs_overlays_trampoline_lowered:
0x8: {  	[smem:$0x3FAD] =	sst s0  }
0x9: {  	[smem:$0x3FAE] =	sst s1  }
0xa: {  	[smem:$0x3FAF] =	sst s2  }
0xb: {  	[smem:$0x3FB0] =	sst s3  }
0xc: {  	[smem:$0x3FB1] =	sst s4  }
0xd: {  	[smem:$0x3FB2] =	sst s5  }
0xe: {  	[smem:$0x3FB3] =	sst s6  }
0xf: {  	[smem:$0x3FB4] =	sst s7  }
0x10: {  	[smem:$0x3FB5] =	sst s8  }
0x11: {  	[smem:$0x3FB6] =	sst s9;
	s0 =	simm.s32 @!p0 $0x0  }
0x12: {  	s1 =	sld [smem:$0x3F9C];
	s0 =	simm.s32 @p0 $0x1  }
0x13: {  	[smem:$0x3FB7] =	sst s0;
	s0 =	simm.s32 @!p1 $0x0  }
0x14: {  	s2 =	sld [smem:$0x3F9B];
	s0 =	simm.s32 @p1 $0x1  }
0x15: {  	[smem:$0x3FB8] =	sst s0;
	s0 =	simm.s32 @!p2 $0x0  }
0x16: {  	s3 =	sld [smem:$0x3FDB];
	s0 =	simm.s32 @p2 $0x1  }
0x17: {  	s4 =	simm.s32 $0x1BF5;
	[smem:$0x3FBA] =	sst s0  }
0x18: {  	s0 =	sld [smem:$0x3F9D];
	_ =	swait.ge [sflag:s4], $0x0  }
0x19: {  	s7 =	sld [smem:$0x3F9E]  }
0x1a: {  	s8 =	sadd.s32 $0xFFFFE003, lr  }
0x1b: {  	s9 =	sadd.s32 $0xFFFFFEF7, lr;
	s5 =	simm.s32 $0xFFFFFFFF;
	p2 =	slt.u32 s8, $0xFFFFF086  }
0x1c: {  	p1 =	slt.u32 s9, $0xF7A;
	s5 =	simm.s32 @!p2 $0x0  }
0x1d: {  	s5 =	simm.s32 @p1 $0x1;
	p0 =	seq.s32 s7, s2  }
0x1e: {  	s7 =	smul.u32 @!p0 $0xF7A, s2;
	p2 =	seq.s32 @!p0 s5, $0x0  }
0x1f: {  	s9 =	smul.u32 $0xF7A, s1;
	s8 =	simm.s32 @!p0 $0x1BF5;
	p2 =	por !p2, p0  }
0x20: {  	[sflag:s8] =	ssyncset.s32 @!p0 $0xFFFFF086;
	s6 =	sadd.s32 @!p0 s3, s7;
	s7 =	simm.s32 @!p0 $0x108  }
0x21: {  	s3 =	sadd.s32 s3, s9;
	s6 =	sadd.s32 @!p0 $0x88, s6;
	s7 =	simm.s32 @p2 $0x1082  }
0x22: {  	[simem:s7], [sflag:s8] =	dma.local @!p0 [hbm:s6], $0xF7A  }
0x23: {  	s9 =	sor.u32 $0xD0000000, s2;
	s6 =	simm.s32 $0x108;
	_ =	swait.ge @!p0 [sflag:s8], $0x0  }
0x24: {  	s3 =	sadd.s32 $0x88, s3;
	s6 =	simm.s32 @!p1 $0x1082;
	[sflag:s4] =	ssyncset.s32 $0xFFFFF086  }
0x25: {  	[simem:s6], [sflag:s4] =	dma.local [hbm:s3], $0xF7A  }
0x26: {  	[smem:$0x3F9E] =	sst s1;
	(tag) =	ssettag s2;
	_ =	strace s9  }
0x27: {  	s1 =	sld [smem:$0x3FAE]  }
0x28: {  	s2 =	sld [smem:$0x3FAF]  }
0x29: {  	s4 =	sld [smem:$0x3FB1]  }
0x2a: {  	p0 =	seq.s32 s5, $0x0;
	s5 =	sld [smem:$0x3FB2]  }
0x2b: {  	s6 =	sld [smem:$0x3FB3]  }
0x2c: {  	s7 =	sld [smem:$0x3FB4]  }
0x2d: {  	s3 =	simm.s32 $0x108;
	s8 =	sld [smem:$0x3FB5]  }
0x2e: {  	s3 =	simm.s32 @!p0 $0x1082;
	s9 =	sld [smem:$0x3FB6]  }
0x2f: {  	lr =	sadd.s32 s0, s3;
	s0 =	sld [smem:$0x3FAD]  }
0x30: {  	s3 =	sld [smem:$0x3FB0]  }
0x31: {  	[smem:$0x3FB9] =	sst s10  }
0x32: {  	s10 =	sld [smem:$0x3FB7];
	_ =	sdelay $0x3  }
0x33: {  	p0 =	seq.s32 s10, $0x1;
	s10 =	sld [smem:$0x3FB9];
	_ =	sdelay $0x3  }
0x34: {  	[smem:$0x3FB9] =	sst s10  }
0x35: {  	s10 =	sld [smem:$0x3FB8];
	_ =	sdelay $0x3  }
0x36: {  	p1 =	seq.s32 s10, $0x1;
	s10 =	sld [smem:$0x3FB9];
	_ =	sdelay $0x3  }
0x37: {  	[smem:$0x3FB9] =	sst s10  }
0x38: {  	s10 =	sld [smem:$0x3FBA]  }
0x39: {  	_ = 	snop;
	(pc) =	sbr.ind lr, $3  }
0x3a: {  	_ = 	snop  }
0x3b: {  	_ = 	snop  }
0x3c: {  	p2 =	seq.s32 s10, $0x1;
	s10 =	sld [smem:$0x3FB9]  }
0x3d: {  	_ =	shalt  }
0x3e: {  	_ =	shalt  }
0x3f: {  	_ =	shalt  }
0x40: {  	_ =	shalt  }
0x41: {  	_ =	shalt  }
0x42: {  	_ =	shalt  }
0x43: {  	_ =	shalt  }
0x44: {  	_ =	shalt  }
0x45: {  	_ =	shalt  }
0x46: {  	_ =	shalt  }
0x47: {  	_ =	shalt  }
0x48: {  	_ =	shalt  }
0x49: {  	_ =	shalt  }
0x4a: {  	_ =	shalt  }
0x4b: {  	_ =	shalt  }
0x4c: {  	_ =	shalt  }
0x4d: {  	_ =	shalt  }
0x4e: {  	_ =	shalt  }
0x4f: {  	_ =	shalt  }
0x50: {  	_ =	shalt  }
0x51: {  	_ =	shalt  }
0x52: {  	_ =	shalt  }
0x53: {  	_ =	shalt  }
0x54: {  	_ =	shalt  }
0x55: {  	_ =	shalt  }
0x56: {  	_ =	shalt  }
0x57: {  	_ =	shalt  }
0x58: {  	_ =	shalt  }
0x59: {  	_ =	shalt  }
0x5a: {  	_ =	shalt  }
0x5b: {  	_ =	shalt  }
0x5c: {  	_ =	shalt  }
0x5d: {  	_ =	shalt  }
0x5e: {  	_ =	shalt  }
0x5f: {  	_ =	shalt  }
0x60: {  	_ =	shalt  }
0x61: {  	_ =	shalt  }
0x62: {  	_ =	shalt  }
0x63: {  	_ =	shalt  }
0x64: {  	_ =	shalt  }
0x65: {  	_ =	shalt  }
0x66: {  	_ =	shalt  }
0x67: {  	_ =	shalt  }
0x68: {  	_ =	shalt  }
0x69: {  	_ =	shalt  }
0x6a: {  	_ =	shalt  }
0x6b: {  	_ =	shalt  }
0x6c: {  	_ =	shalt  }
0x6d: {  	_ =	shalt  }
0x6e: {  	_ =	shalt  }
0x6f: {  	_ =	shalt  }
0x70: {  	_ =	shalt  }
0x71: {  	_ =	shalt  }
0x72: {  	_ =	shalt  }
0x73: {  	_ =	shalt  }
0x74: {  	_ =	shalt  }
0x75: {  	_ =	shalt  }
0x76: {  	_ =	shalt  }
0x77: {  	_ =	shalt  }
0x78: {  	_ =	shalt  }
0x79: {  	_ =	shalt  }
0x7a: {  	_ =	shalt  }
0x7b: {  	_ =	shalt  }
0x7c: {  	_ =	shalt  }
0x7d: {  	_ =	shalt  }
0x7e: {  	_ =	shalt  }
0x7f: {  	_ =	shalt  }
0x80: {  	_ =	shalt  }
0x81: {  	_ =	shalt  }
0x82: {  	_ =	shalt  }
0x83: {  	_ =	shalt  }
0x84: {  	_ =	shalt  }
0x85: {  	_ =	shalt  }
0x86: {  	_ =	shalt  }
0x87: {  	_ =	shalt  }
.Lfunc_end0:
.L_simem_size_0:
called_computation_lowered:
.L_overlay_start_0:
0x88: {  	s2 =	sld [smem:$0x3FD9]  }
0x89: {  	s3 =	sld [smem:$0x3FFE];
	_ =	sdelay $0x1  }
0x8a: {  	s1 =	srdreg.scid  }
0x8b: {  	s0 =	sand.u32 $0x1, s1  }
0x8c: {  	s18 =	sshll.u32 s0, $0xA;
	s2 =	sadd.s32 s3, s2  }
0x8d: {  	s2 =	sadd.s32 s2, s18  }
0x8e: {  	[smem:$0x3FC5] =	sst s2  }
0x8f: {  	_ = 	snop  }
0x90: {  	s2 =	sld [smem:$0x3FC9]  }
0x91: {  	s19 =	sld [smem:$0x3FC8]  }
0x92: {  	s4 =	sld [smem:$0x3FC7]  }
0x93: {  	s5 =	sld [smem:$0x3FD0];
	(tm) =	ssettm $0x1  }
0x94: {  	s6 =	sld [smem:$0x3FFB];
	_ =	sdelay $0x3  }
0x95: {  	_ =	strace s6  }
0x96: {  	s6 =	sld [smem:$0x3FFC];
	_ =	sdelay $0x3  }
0x97: {  	_ =	strace s6  }
0x98: {  	s6 =	sld [smem:$0x3FFD];
	_ =	sdelay $0x3  }
0x99: {  	_ =	strace s6  }
0x9a: {  	_ =	strace $0x8FFFFFFF  }
0x9b: {  	s20 =	sld [smem:$0x3FDB];
	_ =	sdelay $0x1  }
0x9c: {  	s7 =	simm.s32 $_scs_section_size  }
0x9d: {  	s8 =	simm.s32 $_size__tile_overlayer_lowered;
	s9 =	simm.s32 $_tile_overlayer_lowered  }
0x9e: {  	s23 =	simm.s32 $0x1BFF;
	s22 =	sshll.u32 s9, $0x1;
	s6 =	sadd.s32 s7, s20  }
0x9f: {  	s10 =	simm.s32 $0x0;
	s21 =	sshll.u32 s8, $0x1;
	s8 =	sadd.s32 s22, s6  }
0xa0: {  	[timem:s10], [sflag:s23] =	dma.local [hbm:s8], s21  }
0xa1: {  	_ =	swait.ge [sflag:s23], s21  }
0xa2: {  	s7 =	ssub.s32 $0x0, s21;
	[sflag:s23] =	ssyncset.done $0x0  }
0xa3: {  	[sflag:s23] =	ssyncadd.s32 s7;
	_ =	sdelay $0x1  }
0xa4: {  	s24 =	simm.s32 $0x1B8B  }
0xa5: {  	_ =	swait.ge [sflag:s24], $0x1  }
0xa6: {  	[sflag:s24] =	ssyncset.done $0x0  }
0xa7: {  	s25 =	simm.s32 $0x1B8E;
	[sflag:s24] =	ssyncadd.s32 $0xFFFFFFFF  }
0xa8: {  	s26 =	simm.s32 $execute0_lowered;
	[smem:$0x3FD2] =	sst s25  }
0xa9: {  	s7 =	sshll.u32 s26, $0x1;
	_ =	strace $0x80000046;
	[dreg:$0x1] =	wrdreg $0xFFFFFFFF  }
0xaa: {  	s28 =	simm.s32 $_size_execute0_lowered;
	s6 =	sadd.s32 s6, s7;
	[dreg:$0x0] =	wrdreg $0x0  }
0xab: {  	s7 =	sshll.u32 s28, $0x1;
	[dreg:$0x2] =	wrdreg s6  }
0xac: {  	[dreg:$0x3] =	wrdreg s7  }
0xad: {  	[dreg:$0x4] =	wrdreg $0xC0  }
0xae: {  	_ =	task [dreg:s10], $0x5FFFF  }
0xaf: {  	[dreg:$0x1] =	wrdreg $0xFFFFFFFF  }
0xb0: {  	[dreg:$0x0] =	wrdreg $0x60  }
0xb1: {  	[dreg:$0x2] =	wrdreg s2  }
0xb2: {  	[dreg:$0x3] =	wrdreg s19  }
0xb3: {  	[dreg:$0x4] =	wrdreg s4  }
0xb4: {  	[dreg:$0x5] =	wrdreg s5  }
0xb5: {  	[dreg:$0x6] =	wrdreg $0x9  }
0xb6: {  	_ =	task.clear_ibuf [dreg:s10], $0x7FFFF;
	_ =	strace $0x90000046  }
0xb7: {  	s29 =	simm.s32 $0x9;
	_ =	strace $0x80000048  }
0xb8: {  	_ =	swait.ge [sflag:s29], $0x1  }
0xb9: {  	[sflag:s29] =	ssyncadd.s32 $0xFFFFFFFF  }
0xba: {  	_ =	strace $0x90000048  }
0xbb: {  	_ =	sfence  }
0xbc: {  	s30 =	sld [smem:$0x0];
	_ =	sdelay $0x2  }
0xbd: {  	s31 =	sshll.u32 s1, $0xD;
	s1 =	sshrl.u32 s1, $0x2  }
0xbe: {  	s3 =	sand.u32 $0x4000, s31;
	s1 =	sadd.s32 s1, s30  }
0xbf: {  	s0 =	sor.u32 s3, s0;
	s1 =	sshll.u32 s1, $0x11  }
0xc0: {  	s0 =	sor.u32 s1, s0  }
0xc1: {  	s0 =	sadd.s32 $0x8F2B, s0  }
0xc2: {  	[sflag:s0] =	ssyncadd.remote.s32 $0x1  }
0xc3: {  	_ =	sfence.sel $0xFFFF  }
0xc4: {  	[dreg:$0x0] =	wrdreg $0xFFFFFFFF;
	(pc) =	sbr.abs _section_cstart, $3  }
0xc5: {  	[dreg:$0x1] =	wrdreg $0xFFFFFFFF  }
0xc6: {  	_ =	task.clear_ibuf [dreg:s10], $0x2FFFF;
	_ =	strace $0x9FFFFFFF  }
0xc7: {  	(tm) =	ssettm $0x7FFFFFFF  }
tec
execute0_lowered:
.L_overlay_start_1:
0x0: {  	(tag) =	ssettag $0x1  }
0x1: {  	s0 =	rddreg [dreg:$0x0]  }
0x2: {  	s2 =	srdreg.scid;
	s1 =	rddreg [dreg:$0x1]  }
0x3: {  	s3 =	stileid.u32;
	s11 =	rddreg [dreg:$0x2];
	s14 =	simm.s32 $0x4  }
0x4: {  	s20 =	simm.s32 $0xA080;
	s21 =	simm.s32 $0xA880;
	s22 =	simm.s32 $0xB080  }
0x5: {  	s23 =	simm.s32 $0xB880;
	s24 =	simm.s32 $0x15080;
	s25 =	simm.s32 $0x1  }
0x6: {  	s26 =	simm.s32 $0x2;
	s28 =	simm.s32 $0x3;
	s2 =	sand.u32 $0x1, s2  }
0x7: {  	s29 =	simm.s32 $0x0;
	s4 =	sshll.u32 s3, $0x7;
	s5 =	sshll.u32 s2, $0x6  }
0x8: {  	s3 =	rddreg [dreg:$0x3];
	s2 =	ssub.s32 $0x2, s2;
	s4 =	sor.u32 s5, s4  }
0x9: {  	s5 =	simm.s32 $0x0;
	s7 =	sshrl.u32 s2, $0x1;
	s6 =	sshrl.u32 s4, $0x3  }
0xa: {  	[smem:$0x7FF] =	sst s5;
	s2 =	ssub.s32 s2, s7;
	s9 =	smul.u32 $0x1800, s6  }
0xb: {  	s7 =	sadd.s32 $0x100, s1;
	s8 =	smul.u32 $0x300, s6;
	_ =	strace $0x80000047  }
0xc: {  	v2 =	vlaneseq.u32;
	s6 =	sadd.s32 s0, s6;
	s13 =	smax.u32 s2, $0x1;
	s31 =	sshrl.u32 s9, $0x3  }
0xd: {  	vm0 =	vmmov $0xffff;
	v1 =	vshrl.u32 v2, $0x3;
	s8 =	sadd.s32 s11, s8;
	s9 =	sadd.s32 $0x200, s1;
	s0 =	sadd.s32 s11, s31  }
0xe: {  	v0 =	vand.u32 $0x7, v2;
	v2 =	vor.u32 $0x8, v2;
	v1 =	vmul.u32 $0x8, v1;
	s10 =	sadd.s32 $0x600, s8;
	s11 =	sadd.s32 $0xC00, s0;
	s12 =	sadd.s32 $0x1200, s0  }
.LBB2_1:
0xf: {  	[tilespmem:s5], [sflag:$0x4] =	stream.linear.gather [hbm4b:s6+s5], $0x40, $0x38;
	[tilespmem:$0x18080] =	vst v63  }
0x10: {  	_ =	swait.ge [sflag:s14], $0x40  }
0x11: {  	[sflag:s14] =	ssyncset.done $0x0  }
0x12: {  	[sflag:s14] =	ssyncadd.s32 $0xFFFFFFC0  }
0x13: {  	v3 =	vld [tilespmem:$0x0];
	_ =	sdelay $0x4  }
0x14: {  	v4 =	vshrl.u32 v3, $0x3  }
0x15: {  	v4 =	vmul.u32 $0x30, v4  }
0x16: {  	v3 =	vand.u32 $0x7, v3  }
0x17: {  	v3 =	vor.u32 v3, v4  }
0x18: {  	v4 =	vperm.xlane v3, v0;
	_ =	sdelay $0x1  }
0x19: {  	v4 =	vadd.s32 v1, v4;
	_ =	sdelay $0x3  }
0x1a: {  	s0 =	simm.s32 $0x80;
	v3 =	vperm.xlane v3, v2  }
0x1b: {  	[tilespmem:s0], [sflag:$0x1] =	stream.indirect_vreg.gather [hbm4b:s1+s5], $0x80, v4, vm0, $0xb8;
	[tilespmem:$0x18080] =	vst v63  }
0x1c: {  	s31 =	simm.s32 $0x880;
	v3 =	vadd.s32 v1, v3  }
0x1d: {  	[tilespmem:s31], [sflag:$0x1] =	stream.indirect_vreg.gather [hbm4b:s7+s5], $0x80, v4, vm0, $0xb8;
	[tilespmem:$0x18080] =	vst v63  }
0x1e: {  	s2 =	simm.s32 $0x1080  }
0x1f: {  	[tilespmem:s2], [sflag:$0x1] =	stream.indirect_vreg.gather [hbm4b:s9+s5], $0x80, v4, vm0, $0xb8;
	[tilespmem:$0x18080] =	vst v63  }
0x20: {  	s15 =	simm.s32 $0x1880  }
0x21: {  	[tilespmem:s15], [sflag:$0x1] =	stream.indirect_vreg.gather [hbm4b:s1+s5], $0x80, v3, vm0, $0xb8;
	[tilespmem:$0x18080] =	vst v63  }
0x22: {  	s16 =	simm.s32 $0x2080  }
0x23: {  	[tilespmem:s16], [sflag:$0x1] =	stream.indirect_vreg.gather [hbm4b:s7+s5], $0x80, v3, vm0, $0xb8;
	[tilespmem:$0x18080] =	vst v63  }
0x24: {  	s17 =	simm.s32 $0x2880  }
0x25: {  	[tilespmem:s17], [sflag:$0x1] =	stream.indirect_vreg.gather [hbm4b:s9+s5], $0x80, v3, vm0, $0xb8;
	[tilespmem:$0x18080] =	vst v63  }
0x26: {  	s18 =	simm.s32 $0xC080  }
0x27: {  	[tilespmem:s18], [sflag:$0x2] =	stream.linear.gather [hbm4b:s8+s5], $0x3000, $0x38;
	[tilespmem:$0x18080] =	vst v63  }
0x28: {  	v3 =	vld [tilespmem:$0x10];
	_ =	sdelay $0x4  }
0x29: {  	v61 =	vshrl.u32 v3, $0x3  }
0x2a: {  	v4 =	vmul.u32 $0x30, v61  }
0x2b: {  	v3 =	vand.u32 $0x7, v3  }
0x2c: {  	v3 =	vor.u32 v3, v4  }
0x2d: {  	v4 =	vperm.xlane v3, v0;
	_ =	sdelay $0x1  }
0x2e: {  	v4 =	vadd.s32 v1, v4;
	_ =	sdelay $0x3  }
0x2f: {  	s19 =	simm.s32 $0x3080;
	v3 =	vperm.xlane v3, v2  }
0x30: {  	[tilespmem:s19], [sflag:$0x1] =	stream.indirect_vreg.gather [hbm4b:s1+s5], $0x80, v4, vm0, $0xb8;
	[tilespmem:$0x18080] =	vst v63  }
0x31: {  	s31 =	simm.s32 $0x3880;
	v3 =	vadd.s32 v1, v3  }
0x32: {  	[tilespmem:s31], [sflag:$0x1] =	stream.indirect_vreg.gather [hbm4b:s7+s5], $0x80, v4, vm0, $0xb8;
	[tilespmem:$0x18080] =	vst v63  }
0x33: {  	s2 =	simm.s32 $0x4080  }
0x34: {  	[tilespmem:s2], [sflag:$0x1] =	stream.indirect_vreg.gather [hbm4b:s9+s5], $0x80, v4, vm0, $0xb8;
	[tilespmem:$0x18080] =	vst v63  }
0x35: {  	s15 =	simm.s32 $0x4880  }
0x36: {  	[tilespmem:s15], [sflag:$0x1] =	stream.indirect_vreg.gather [hbm4b:s1+s5], $0x80, v3, vm0, $0xb8;
	[tilespmem:$0x18080] =	vst v63  }
0x37: {  	s16 =	simm.s32 $0x5080  }
0x38: {  	[tilespmem:s16], [sflag:$0x1] =	stream.indirect_vreg.gather [hbm4b:s7+s5], $0x80, v3, vm0, $0xb8;
	[tilespmem:$0x18080] =	vst v63  }
0x39: {  	s17 =	simm.s32 $0x5880  }
0x3a: {  	[tilespmem:s17], [sflag:$0x1] =	stream.indirect_vreg.gather [hbm4b:s9+s5], $0x80, v3, vm0, $0xb8;
	[tilespmem:$0x18080] =	vst v63  }
0x3b: {  	s18 =	simm.s32 $0xF080  }
0x3c: {  	[tilespmem:s18], [sflag:$0x2] =	stream.linear.gather [hbm4b:s10+s5], $0x3000, $0x38;
	[tilespmem:$0x18080] =	vst v63  }
0x3d: {  	v3 =	vld [tilespmem:$0x20];
	_ =	sdelay $0x4  }
0x3e: {  	v62 =	vshrl.u32 v3, $0x3  }
0x3f: {  	v4 =	vmul.u32 $0x30, v62  }
0x40: {  	v3 =	vand.u32 $0x7, v3  }
0x41: {  	v3 =	vor.u32 v3, v4  }
0x42: {  	v4 =	vperm.xlane v3, v0;
	_ =	sdelay $0x1  }
0x43: {  	v4 =	vadd.s32 v1, v4;
	_ =	sdelay $0x3  }
0x44: {  	s19 =	simm.s32 $0x6080;
	v3 =	vperm.xlane v3, v2  }
0x45: {  	[tilespmem:s19], [sflag:$0x1] =	stream.indirect_vreg.gather [hbm4b:s1+s5], $0x80, v4, vm0, $0xb8;
	[tilespmem:$0x18080] =	vst v63  }
0x46: {  	s31 =	simm.s32 $0x6880;
	v3 =	vadd.s32 v1, v3  }
0x47: {  	[tilespmem:s31], [sflag:$0x1] =	stream.indirect_vreg.gather [hbm4b:s7+s5], $0x80, v4, vm0, $0xb8;
	[tilespmem:$0x18080] =	vst v63  }
0x48: {  	s2 =	simm.s32 $0x7080  }
0x49: {  	[tilespmem:s2], [sflag:$0x1] =	stream.indirect_vreg.gather [hbm4b:s9+s5], $0x80, v4, vm0, $0xb8;
	[tilespmem:$0x18080] =	vst v63  }
0x4a: {  	s15 =	simm.s32 $0x7880  }
0x4b: {  	[tilespmem:s15], [sflag:$0x1] =	stream.indirect_vreg.gather [hbm4b:s1+s5], $0x80, v3, vm0, $0xb8;
	[tilespmem:$0x18080] =	vst v63  }
0x4c: {  	s16 =	simm.s32 $0x8080  }
0x4d: {  	[tilespmem:s16], [sflag:$0x1] =	stream.indirect_vreg.gather [hbm4b:s7+s5], $0x80, v3, vm0, $0xb8;
	[tilespmem:$0x18080] =	vst v63  }
0x4e: {  	s17 =	simm.s32 $0x8880  }
0x4f: {  	[tilespmem:s17], [sflag:$0x1] =	stream.indirect_vreg.gather [hbm4b:s9+s5], $0x80, v3, vm0, $0xb8;
	[tilespmem:$0x18080] =	vst v63  }
0x50: {  	s18 =	simm.s32 $0x12080  }
0x51: {  	[tilespmem:s18], [sflag:$0x2] =	stream.linear.gather [hbm4b:s11+s5], $0x3000, $0x38;
	[tilespmem:$0x18080] =	vst v63  }
0x52: {  	v3 =	vld [tilespmem:$0x30];
	_ =	sdelay $0x4  }
0x53: {  	v63 =	vshrl.u32 v3, $0x3  }
0x54: {  	v4 =	vmul.u32 $0x30, v63  }
0x55: {  	v3 =	vand.u32 $0x7, v3  }
0x56: {  	v3 =	vor.u32 v3, v4  }
0x57: {  	v4 =	vperm.xlane v3, v0;
	_ =	sdelay $0x1  }
0x58: {  	v4 =	vadd.s32 v1, v4;
	_ =	sdelay $0x3  }
0x59: {  	s19 =	simm.s32 $0x9080;
	v3 =	vperm.xlane v3, v2  }
0x5a: {  	[tilespmem:s19], [sflag:$0x1] =	stream.indirect_vreg.gather [hbm4b:s1+s5], $0x80, v4, vm0, $0xb8;
	[tilespmem:$0x18080] =	vst v63  }
0x5b: {  	s31 =	simm.s32 $0x9880;
	v3 =	vadd.s32 v1, v3  }
0x5c: {  	[tilespmem:s31], [sflag:$0x1] =	stream.indirect_vreg.gather [hbm4b:s7+s5], $0x80, v4, vm0, $0xb8;
	[tilespmem:$0x18080] =	vst v63  }
0x5d: {  	_ = 	snop  }
0x5e: {  	[tilespmem:s20], [sflag:$0x1] =	stream.indirect_vreg.gather [hbm4b:s9+s5], $0x80, v4, vm0, $0xb8;
	[tilespmem:$0x18080] =	vst v63  }
0x5f: {  	_ = 	snop  }
0x60: {  	[tilespmem:s21], [sflag:$0x1] =	stream.indirect_vreg.gather [hbm4b:s1+s5], $0x80, v3, vm0, $0xb8;
	[tilespmem:$0x18080] =	vst v63  }
0x61: {  	_ = 	snop  }
0x62: {  	[tilespmem:s22], [sflag:$0x1] =	stream.indirect_vreg.gather [hbm4b:s7+s5], $0x80, v3, vm0, $0xb8;
	[tilespmem:$0x18080] =	vst v63  }
0x63: {  	_ = 	snop  }
0x64: {  	[tilespmem:s23], [sflag:$0x1] =	stream.indirect_vreg.gather [hbm4b:s9+s5], $0x80, v3, vm0, $0xb8;
	[tilespmem:$0x18080] =	vst v63  }
0x65: {  	s30 =	simm.s32 $0x0;
	s2 =	simm.s32 $0x0;
	s16 =	simm.s32 $0x0  }
0x66: {  	[tilespmem:s24], [sflag:$0x2] =	stream.linear.gather [hbm4b:s12+s5], $0x3000, $0x38;
	[tilespmem:$0x18080] =	vst v63  }
.LBB2_2:
0x67: {  	_ =	swait.ge [sflag:s25], $0x3000  }
0x68: {  	s0 =	sadd.s32 $0x0, s30;
	[sflag:s25] =	ssyncset.done $0x0  }
0x69: {  	s0 =	sshrl.u32 s0, $0x3;
	[sflag:s25] =	ssyncadd.s32 $0xFFFFD000  }
0x6a: {  	s0 =	smul.u32 $0x1800, s0;
	_ =	swait.ge [sflag:s26], $0x3000  }
0x6b: {  	s15 =	sand.u32 $0x380, s16;
	[sflag:s26] =	ssyncset.done $0x0  }
0x6c: {  	s15 =	sor.u32 s15, s0;
	[sflag:s26] =	ssyncadd.s32 $0xFFFFD000  }
0x6d: {  	v3 =	vld [tilespmem:s15+$0xD4F0]  }
0x6e: {  	v7 =	vld [tilespmem:s15+$0xC080]  }
0x6f: {  	v8 =	vld [tilespmem:s15+$0xC090]  }
0x70: {  	v9 =	vld [tilespmem:s15+$0xC0A0]  }
0x71: {  	v10 =	vld [tilespmem:s15+$0xC0B0]  }
0x72: {  	v11 =	vld [tilespmem:s15+$0xC0C0]  }
0x73: {  	v12 =	vld [tilespmem:s15+$0xC0D0]  }
0x74: {  	v13 =	vld [tilespmem:s15+$0xC0E0]  }
0x75: {  	v14 =	vld [tilespmem:s15+$0xC0F0]  }
0x76: {  	v15 =	vld [tilespmem:s15+$0xC480]  }
0x77: {  	v16 =	vld [tilespmem:s15+$0xC490]  }
0x78: {  	v17 =	vld [tilespmem:s15+$0xC4A0]  }
0x79: {  	v18 =	vld [tilespmem:s15+$0xC4B0]  }
0x7a: {  	v19 =	vld [tilespmem:s15+$0xC4C0]  }
0x7b: {  	v20 =	vld [tilespmem:s15+$0xC4D0]  }
0x7c: {  	v21 =	vld [tilespmem:s15+$0xC4E0]  }
0x7d: {  	v22 =	vld [tilespmem:s15+$0xC4F0]  }
0x7e: {  	v23 =	vld [tilespmem:s15+$0xC880]  }
0x7f: {  	v24 =	vld [tilespmem:s15+$0xC890]  }
0x80: {  	v25 =	vld [tilespmem:s15+$0xC8A0]  }
0x81: {  	v26 =	vld [tilespmem:s15+$0xC8B0]  }
0x82: {  	v27 =	vld [tilespmem:s15+$0xC8C0]  }
0x83: {  	v28 =	vld [tilespmem:s15+$0xC8D0]  }
0x84: {  	v29 =	vld [tilespmem:s15+$0xC8E0]  }
0x85: {  	v30 =	vld [tilespmem:s15+$0xC8F0]  }
0x86: {  	v31 =	vld [tilespmem:s15+$0xCC80]  }
0x87: {  	v32 =	vld [tilespmem:s15+$0xCC90]  }
0x88: {  	v33 =	vld [tilespmem:s15+$0xCCA0]  }
0x89: {  	v34 =	vld [tilespmem:s15+$0xCCB0]  }
0x8a: {  	v35 =	vld [tilespmem:s15+$0xCCC0]  }
0x8b: {  	v36 =	vld [tilespmem:s15+$0xCCD0]  }
0x8c: {  	v37 =	vld [tilespmem:s15+$0xCCE0]  }
0x8d: {  	v38 =	vld [tilespmem:s15+$0xCCF0]  }
0x8e: {  	v39 =	vld [tilespmem:s15+$0xD080]  }
0x8f: {  	v40 =	vld [tilespmem:s15+$0xD090]  }
0x90: {  	v41 =	vld [tilespmem:s15+$0xD0A0]  }
0x91: {  	v42 =	vld [tilespmem:s15+$0xD0B0]  }
0x92: {  	v43 =	vld [tilespmem:s15+$0xD0C0]  }
0x93: {  	v44 =	vld [tilespmem:s15+$0xD0D0]  }
0x94: {  	v45 =	vld [tilespmem:s15+$0xD0E0]  }
0x95: {  	v46 =	vld [tilespmem:s15+$0xD0F0]  }
0x96: {  	v47 =	vld [tilespmem:s15+$0xD480]  }
0x97: {  	v48 =	vld [tilespmem:s15+$0xD490]  }
0x98: {  	v49 =	vld [tilespmem:s15+$0xD4A0]  }
0x99: {  	v6 =	vld [tilespmem:s15+$0xD4B0]  }
0x9a: {  	v5 =	vld [tilespmem:s15+$0xD4C0]  }
0x9b: {  	v4 =	vld [tilespmem:s15+$0xD4D0]  }
0x9c: {  	[tilespmem:s15+$0x14F0] =	vst.add.f32.msk $0xffff, v3  }
0x9d: {  	v3 =	vld [tilespmem:s15+$0xD4E0]  }
0x9e: {  	[tilespmem:s15+$0x80] =	vst.add.f32.msk $0xffff, v7  }
0x9f: {  	[tilespmem:s15+$0x90] =	vst.add.f32.msk $0xffff, v8  }
0xa0: {  	[tilespmem:s15+$0xA0] =	vst.add.f32.msk $0xffff, v9  }
0xa1: {  	[tilespmem:s15+$0xB0] =	vst.add.f32.msk $0xffff, v10  }
0xa2: {  	[tilespmem:s15+$0xC0] =	vst.add.f32.msk $0xffff, v11  }
0xa3: {  	[tilespmem:s15+$0xD0] =	vst.add.f32.msk $0xffff, v12  }
0xa4: {  	[tilespmem:s15+$0xE0] =	vst.add.f32.msk $0xffff, v13  }
0xa5: {  	[tilespmem:s15+$0xF0] =	vst.add.f32.msk $0xffff, v14  }
0xa6: {  	[tilespmem:s15+$0x480] =	vst.add.f32.msk $0xffff, v15  }
0xa7: {  	[tilespmem:s15+$0x490] =	vst.add.f32.msk $0xffff, v16  }
0xa8: {  	[tilespmem:s15+$0x4A0] =	vst.add.f32.msk $0xffff, v17  }
0xa9: {  	[tilespmem:s15+$0x4B0] =	vst.add.f32.msk $0xffff, v18  }
0xaa: {  	[tilespmem:s15+$0x4C0] =	vst.add.f32.msk $0xffff, v19  }
0xab: {  	[tilespmem:s15+$0x4D0] =	vst.add.f32.msk $0xffff, v20  }
0xac: {  	[tilespmem:s15+$0x4E0] =	vst.add.f32.msk $0xffff, v21  }
0xad: {  	[tilespmem:s15+$0x4F0] =	vst.add.f32.msk $0xffff, v22  }
0xae: {  	[tilespmem:s15+$0x880] =	vst.add.f32.msk $0xffff, v23  }
0xaf: {  	[tilespmem:s15+$0x890] =	vst.add.f32.msk $0xffff, v24  }
0xb0: {  	[tilespmem:s15+$0x8A0] =	vst.add.f32.msk $0xffff, v25  }
0xb1: {  	[tilespmem:s15+$0x8B0] =	vst.add.f32.msk $0xffff, v26  }
0xb2: {  	[tilespmem:s15+$0x8C0] =	vst.add.f32.msk $0xffff, v27  }
0xb3: {  	[tilespmem:s15+$0x8D0] =	vst.add.f32.msk $0xffff, v28  }
0xb4: {  	[tilespmem:s15+$0x8E0] =	vst.add.f32.msk $0xffff, v29  }
0xb5: {  	[tilespmem:s15+$0x8F0] =	vst.add.f32.msk $0xffff, v30  }
0xb6: {  	[tilespmem:s15+$0xC80] =	vst.add.f32.msk $0xffff, v31  }
0xb7: {  	[tilespmem:s15+$0xC90] =	vst.add.f32.msk $0xffff, v32  }
0xb8: {  	[tilespmem:s15+$0xCA0] =	vst.add.f32.msk $0xffff, v33  }
0xb9: {  	[tilespmem:s15+$0xCB0] =	vst.add.f32.msk $0xffff, v34  }
0xba: {  	[tilespmem:s15+$0xCC0] =	vst.add.f32.msk $0xffff, v35  }
0xbb: {  	[tilespmem:s15+$0xCD0] =	vst.add.f32.msk $0xffff, v36  }
0xbc: {  	[tilespmem:s15+$0xCE0] =	vst.add.f32.msk $0xffff, v37  }
0xbd: {  	[tilespmem:s15+$0xCF0] =	vst.add.f32.msk $0xffff, v38  }
0xbe: {  	[tilespmem:s15+$0x1080] =	vst.add.f32.msk $0xffff, v39  }
0xbf: {  	[tilespmem:s15+$0x1090] =	vst.add.f32.msk $0xffff, v40  }
0xc0: {  	[tilespmem:s15+$0x10A0] =	vst.add.f32.msk $0xffff, v41  }
0xc1: {  	[tilespmem:s15+$0x10B0] =	vst.add.f32.msk $0xffff, v42  }
0xc2: {  	[tilespmem:s15+$0x10C0] =	vst.add.f32.msk $0xffff, v43  }
0xc3: {  	[tilespmem:s15+$0x10D0] =	vst.add.f32.msk $0xffff, v44  }
0xc4: {  	[tilespmem:s15+$0x10E0] =	vst.add.f32.msk $0xffff, v45  }
0xc5: {  	[tilespmem:s15+$0x10F0] =	vst.add.f32.msk $0xffff, v46  }
0xc6: {  	[tilespmem:s15+$0x1480] =	vst.add.f32.msk $0xffff, v47  }
0xc7: {  	s18 =	sadd.s32 $0x1, s30;
	[tilespmem:s15+$0x1490] =	vst.add.f32.msk $0xffff, v48  }
0xc8: {  	s17 =	simm.s32 $0x2;
	s31 =	smov.u32 s16;
	s0 =	sshll.u32 s2, $0x4;
	[tilespmem:s15+$0x14A0] =	vst.add.f32.msk $0xffff, v49  }
.LBB2_3:
0xc9: {  	p0 =	sne.s32 s17, $0xF;
	s18 =	sshrl.u32 s18, $0x3;
	[tilespmem:s15+$0x14B0] =	vst.add.f32.msk $0xffff, v6  }
0xca: {  	s31 =	sadd.s32 $0x80, s31;
	s18 =	smul.u32 $0x1800, s18;
	[tilespmem:s15+$0x14C0] =	vst.add.f32.msk $0xffff, v5  }
0xcb: {  	s19 =	sand.u32 $0x380, s31;
	[tilespmem:s15+$0x14D0] =	vst.add.f32.msk $0xffff, v4  }
0xcc: {  	[tilespmem:s15+$0x14E0] =	vst.add.f32.msk $0xffff, v3;
	s15 =	sor.u32 s19, s18  }
0xcd: {  	v3 =	vld [tilespmem:s15+$0xD4F0]  }
0xce: {  	v7 =	vld [tilespmem:s15+$0xC080]  }
0xcf: {  	v8 =	vld [tilespmem:s15+$0xC090]  }
0xd0: {  	v9 =	vld [tilespmem:s15+$0xC0A0]  }
0xd1: {  	v10 =	vld [tilespmem:s15+$0xC0B0]  }
0xd2: {  	[tilespmem:s15+$0x14F0] =	vst.add.f32.msk $0xffff, v3  }
0xd3: {  	v11 =	vld [tilespmem:s15+$0xC0C0]  }
0xd4: {  	v12 =	vld [tilespmem:s15+$0xC0D0]  }
0xd5: {  	v13 =	vld [tilespmem:s15+$0xC0E0]  }
0xd6: {  	v14 =	vld [tilespmem:s15+$0xC0F0]  }
0xd7: {  	v15 =	vld [tilespmem:s15+$0xC480]  }
0xd8: {  	v16 =	vld [tilespmem:s15+$0xC490]  }
0xd9: {  	v17 =	vld [tilespmem:s15+$0xC4A0]  }
0xda: {  	v18 =	vld [tilespmem:s15+$0xC4B0]  }
0xdb: {  	v19 =	vld [tilespmem:s15+$0xC4C0]  }
0xdc: {  	v20 =	vld [tilespmem:s15+$0xC4D0]  }
0xdd: {  	v21 =	vld [tilespmem:s15+$0xC4E0]  }
0xde: {  	v22 =	vld [tilespmem:s15+$0xC4F0]  }
0xdf: {  	v23 =	vld [tilespmem:s15+$0xC880]  }
0xe0: {  	v24 =	vld [tilespmem:s15+$0xC890]  }
0xe1: {  	v25 =	vld [tilespmem:s15+$0xC8A0]  }
0xe2: {  	v26 =	vld [tilespmem:s15+$0xC8B0]  }
0xe3: {  	v27 =	vld [tilespmem:s15+$0xC8C0]  }
0xe4: {  	v28 =	vld [tilespmem:s15+$0xC8D0]  }
0xe5: {  	v29 =	vld [tilespmem:s15+$0xC8E0]  }
0xe6: {  	v30 =	vld [tilespmem:s15+$0xC8F0]  }
0xe7: {  	v31 =	vld [tilespmem:s15+$0xCC80]  }
0xe8: {  	v32 =	vld [tilespmem:s15+$0xCC90]  }
0xe9: {  	v33 =	vld [tilespmem:s15+$0xCCA0]  }
0xea: {  	v34 =	vld [tilespmem:s15+$0xCCB0]  }
0xeb: {  	v35 =	vld [tilespmem:s15+$0xCCC0]  }
0xec: {  	v36 =	vld [tilespmem:s15+$0xCCD0]  }
0xed: {  	v37 =	vld [tilespmem:s15+$0xCCE0]  }
0xee: {  	v38 =	vld [tilespmem:s15+$0xCCF0]  }
0xef: {  	v39 =	vld [tilespmem:s15+$0xD080]  }
0xf0: {  	v40 =	vld [tilespmem:s15+$0xD090]  }
0xf1: {  	v41 =	vld [tilespmem:s15+$0xD0A0]  }
0xf2: {  	v42 =	vld [tilespmem:s15+$0xD0B0]  }
0xf3: {  	v43 =	vld [tilespmem:s15+$0xD0C0]  }
0xf4: {  	v44 =	vld [tilespmem:s15+$0xD0D0]  }
0xf5: {  	v45 =	vld [tilespmem:s15+$0xD0E0]  }
0xf6: {  	v46 =	vld [tilespmem:s15+$0xD0F0]  }
0xf7: {  	v47 =	vld [tilespmem:s15+$0xD480]  }
0xf8: {  	v48 =	vld [tilespmem:s15+$0xD490]  }
0xf9: {  	v49 =	vld [tilespmem:s15+$0xD4A0]  }
0xfa: {  	v6 =	vld [tilespmem:s15+$0xD4B0]  }
0xfb: {  	v5 =	vld [tilespmem:s15+$0xD4C0]  }
0xfc: {  	v4 =	vld [tilespmem:s15+$0xD4D0]  }
0xfd: {  	v3 =	vld [tilespmem:s15+$0xD4E0]  }
0xfe: {  	[tilespmem:s15+$0x80] =	vst.add.f32.msk $0xffff, v7  }
0xff: {  	[tilespmem:s15+$0x90] =	vst.add.f32.msk $0xffff, v8  }
0x100: {  	[tilespmem:s15+$0xA0] =	vst.add.f32.msk $0xffff, v9  }
0x101: {  	[tilespmem:s15+$0xB0] =	vst.add.f32.msk $0xffff, v10  }
0x102: {  	[tilespmem:s15+$0xC0] =	vst.add.f32.msk $0xffff, v11  }
0x103: {  	[tilespmem:s15+$0xD0] =	vst.add.f32.msk $0xffff, v12  }
0x104: {  	[tilespmem:s15+$0xE0] =	vst.add.f32.msk $0xffff, v13  }
0x105: {  	[tilespmem:s15+$0xF0] =	vst.add.f32.msk $0xffff, v14  }
0x106: {  	[tilespmem:s15+$0x480] =	vst.add.f32.msk $0xffff, v15  }
0x107: {  	[tilespmem:s15+$0x490] =	vst.add.f32.msk $0xffff, v16  }
0x108: {  	[tilespmem:s15+$0x4A0] =	vst.add.f32.msk $0xffff, v17  }
0x109: {  	[tilespmem:s15+$0x4B0] =	vst.add.f32.msk $0xffff, v18  }
0x10a: {  	[tilespmem:s15+$0x4C0] =	vst.add.f32.msk $0xffff, v19  }
0x10b: {  	[tilespmem:s15+$0x4D0] =	vst.add.f32.msk $0xffff, v20  }
0x10c: {  	[tilespmem:s15+$0x4E0] =	vst.add.f32.msk $0xffff, v21  }
0x10d: {  	[tilespmem:s15+$0x4F0] =	vst.add.f32.msk $0xffff, v22  }
0x10e: {  	[tilespmem:s15+$0x880] =	vst.add.f32.msk $0xffff, v23  }
0x10f: {  	[tilespmem:s15+$0x890] =	vst.add.f32.msk $0xffff, v24  }
0x110: {  	[tilespmem:s15+$0x8A0] =	vst.add.f32.msk $0xffff, v25  }
0x111: {  	[tilespmem:s15+$0x8B0] =	vst.add.f32.msk $0xffff, v26  }
0x112: {  	[tilespmem:s15+$0x8C0] =	vst.add.f32.msk $0xffff, v27  }
0x113: {  	[tilespmem:s15+$0x8D0] =	vst.add.f32.msk $0xffff, v28  }
0x114: {  	[tilespmem:s15+$0x8E0] =	vst.add.f32.msk $0xffff, v29  }
0x115: {  	[tilespmem:s15+$0x8F0] =	vst.add.f32.msk $0xffff, v30  }
0x116: {  	[tilespmem:s15+$0xC80] =	vst.add.f32.msk $0xffff, v31  }
0x117: {  	[tilespmem:s15+$0xC90] =	vst.add.f32.msk $0xffff, v32  }
0x118: {  	[tilespmem:s15+$0xCA0] =	vst.add.f32.msk $0xffff, v33  }
0x119: {  	[tilespmem:s15+$0xCB0] =	vst.add.f32.msk $0xffff, v34  }
0x11a: {  	[tilespmem:s15+$0xCC0] =	vst.add.f32.msk $0xffff, v35  }
0x11b: {  	[tilespmem:s15+$0xCD0] =	vst.add.f32.msk $0xffff, v36  }
0x11c: {  	[tilespmem:s15+$0xCE0] =	vst.add.f32.msk $0xffff, v37  }
0x11d: {  	[tilespmem:s15+$0xCF0] =	vst.add.f32.msk $0xffff, v38  }
0x11e: {  	[tilespmem:s15+$0x1080] =	vst.add.f32.msk $0xffff, v39  }
0x11f: {  	[tilespmem:s15+$0x1090] =	vst.add.f32.msk $0xffff, v40  }
0x120: {  	[tilespmem:s15+$0x10A0] =	vst.add.f32.msk $0xffff, v41  }
0x121: {  	[tilespmem:s15+$0x10B0] =	vst.add.f32.msk $0xffff, v42  }
0x122: {  	[tilespmem:s15+$0x10C0] =	vst.add.f32.msk $0xffff, v43  }
0x123: {  	[tilespmem:s15+$0x10D0] =	vst.add.f32.msk $0xffff, v44  }
.Ltmp0:
0x124: {  	[tilespmem:s15+$0x10E0] =	vst.add.f32.msk $0xffff, v45;
	(pc) =	sbr.rel @p0 .LBB2_3-.Ltmp0, $4  }
0x125: {  	[tilespmem:s15+$0x10F0] =	vst.add.f32.msk $0xffff, v46  }
0x126: {  	[tilespmem:s15+$0x1480] =	vst.add.f32.msk $0xffff, v47  }
0x127: {  	[tilespmem:s15+$0x1490] =	vst.add.f32.msk $0xffff, v48  }
0x128: {  	s18 =	sadd.s32 s17, s30;
	s17 =	sadd.s32 $0x1, s17;
	[tilespmem:s15+$0x14A0] =	vst.add.f32.msk $0xffff, v49  }
0x129: {  	s17 =	sshrl.u32 s18, $0x3;
	[tilespmem:s15+$0x14B0] =	vst.add.f32.msk $0xffff, v6  }
0x12a: {  	[tilespmem:s15+$0x14C0] =	vst.add.f32.msk $0xffff, v5;
	s19 =	sadd.s32 $0x80, s31;
	s17 =	smul.u32 $0x1800, s17  }
0x12b: {  	[tilespmem:s15+$0x14D0] =	vst.add.f32.msk $0xffff, v4;
	s18 =	sand.u32 $0x380, s19  }
0x12c: {  	[tilespmem:s15+$0x14E0] =	vst.add.f32.msk $0xffff, v3;
	s17 =	sor.u32 s18, s17  }
0x12d: {  	v3 =	vld [tilespmem:s17+$0xD4F0]  }
0x12e: {  	v4 =	vld [tilespmem:s17+$0xC080]  }
0x12f: {  	v5 =	vld [tilespmem:s17+$0xC090]  }
0x130: {  	v6 =	vld [tilespmem:s17+$0xC0A0]  }
0x131: {  	v7 =	vld [tilespmem:s17+$0xC0B0]  }
0x132: {  	v8 =	vld [tilespmem:s17+$0xC0D0]  }
0x133: {  	v9 =	vld [tilespmem:s17+$0xC0E0]  }
0x134: {  	v10 =	vld [tilespmem:s17+$0xC0F0]  }
0x135: {  	v11 =	vld [tilespmem:s17+$0xC480]  }
0x136: {  	v12 =	vld [tilespmem:s17+$0xC490]  }
0x137: {  	v13 =	vld [tilespmem:s17+$0xC4A0]  }
0x138: {  	v14 =	vld [tilespmem:s17+$0xC4B0]  }
0x139: {  	v15 =	vld [tilespmem:s17+$0xC4C0]  }
0x13a: {  	v16 =	vld [tilespmem:s17+$0xC4D0]  }
0x13b: {  	v17 =	vld [tilespmem:s17+$0xC4E0]  }
0x13c: {  	v18 =	vld [tilespmem:s17+$0xC4F0]  }
0x13d: {  	v19 =	vld [tilespmem:s17+$0xC880]  }
0x13e: {  	v20 =	vld [tilespmem:s17+$0xC890]  }
0x13f: {  	v21 =	vld [tilespmem:s17+$0xC8A0]  }
0x140: {  	v22 =	vld [tilespmem:s17+$0xC8B0]  }
0x141: {  	v23 =	vld [tilespmem:s17+$0xC8C0]  }
0x142: {  	v24 =	vld [tilespmem:s17+$0xC8D0]  }
0x143: {  	v25 =	vld [tilespmem:s17+$0xC8E0]  }
0x144: {  	v26 =	vld [tilespmem:s17+$0xC8F0]  }
0x145: {  	v27 =	vld [tilespmem:s17+$0xCC80]  }
0x146: {  	v28 =	vld [tilespmem:s17+$0xCC90]  }
0x147: {  	v29 =	vld [tilespmem:s17+$0xCCA0]  }
0x148: {  	v30 =	vld [tilespmem:s17+$0xCCB0]  }
0x149: {  	v31 =	vld [tilespmem:s17+$0xCCC0]  }
0x14a: {  	v32 =	vld [tilespmem:s17+$0xCCD0]  }
0x14b: {  	v33 =	vld [tilespmem:s17+$0xCCE0]  }
0x14c: {  	v34 =	vld [tilespmem:s17+$0xCCF0]  }
0x14d: {  	v35 =	vld [tilespmem:s17+$0xD080]  }
0x14e: {  	v36 =	vld [tilespmem:s17+$0xD090]  }
0x14f: {  	v37 =	vld [tilespmem:s17+$0xD0A0]  }
0x150: {  	v38 =	vld [tilespmem:s17+$0xD0B0]  }
0x151: {  	v39 =	vld [tilespmem:s17+$0xD0C0]  }
0x152: {  	v40 =	vld [tilespmem:s17+$0xD0D0]  }
0x153: {  	v41 =	vld [tilespmem:s17+$0xD0E0]  }
0x154: {  	v42 =	vld [tilespmem:s17+$0xD0F0]  }
0x155: {  	v43 =	vld [tilespmem:s17+$0xD480]  }
0x156: {  	v44 =	vld [tilespmem:s17+$0xD490]  }
0x157: {  	v45 =	vld [tilespmem:s17+$0xD4A0]  }
0x158: {  	v46 =	vld [tilespmem:s17+$0xD4B0]  }
0x159: {  	v47 =	vld [tilespmem:s17+$0xD4C0]  }
0x15a: {  	v48 =	vld [tilespmem:s17+$0xD4D0]  }
0x15b: {  	v49 =	vld [tilespmem:s17+$0xD4E0]  }
0x15c: {  	[tilespmem:s17+$0x14F0] =	vst.add.f32.msk $0xffff, v3  }
0x15d: {  	v3 =	vld [tilespmem:s17+$0xC0C0]  }
0x15e: {  	[tilespmem:s17+$0x80] =	vst.add.f32.msk $0xffff, v4  }
0x15f: {  	[tilespmem:s17+$0x90] =	vst.add.f32.msk $0xffff, v5  }
0x160: {  	[tilespmem:s17+$0xA0] =	vst.add.f32.msk $0xffff, v6  }
0x161: {  	[tilespmem:s17+$0xB0] =	vst.add.f32.msk $0xffff, v7  }
0x162: {  	[tilespmem:s17+$0xD0] =	vst.add.f32.msk $0xffff, v8  }
0x163: {  	[tilespmem:s17+$0xE0] =	vst.add.f32.msk $0xffff, v9  }
0x164: {  	[tilespmem:s17+$0xF0] =	vst.add.f32.msk $0xffff, v10  }
0x165: {  	[tilespmem:s17+$0x480] =	vst.add.f32.msk $0xffff, v11  }
0x166: {  	[tilespmem:s17+$0x490] =	vst.add.f32.msk $0xffff, v12  }
0x167: {  	[tilespmem:s17+$0x4A0] =	vst.add.f32.msk $0xffff, v13  }
0x168: {  	[tilespmem:s17+$0x4B0] =	vst.add.f32.msk $0xffff, v14  }
0x169: {  	[tilespmem:s17+$0x4C0] =	vst.add.f32.msk $0xffff, v15  }
0x16a: {  	[tilespmem:s17+$0x4D0] =	vst.add.f32.msk $0xffff, v16  }
0x16b: {  	[tilespmem:s17+$0x4E0] =	vst.add.f32.msk $0xffff, v17  }
0x16c: {  	[tilespmem:s17+$0x4F0] =	vst.add.f32.msk $0xffff, v18  }
0x16d: {  	[tilespmem:s17+$0x880] =	vst.add.f32.msk $0xffff, v19  }
0x16e: {  	[tilespmem:s17+$0x890] =	vst.add.f32.msk $0xffff, v20  }
0x16f: {  	[tilespmem:s17+$0x8A0] =	vst.add.f32.msk $0xffff, v21  }
0x170: {  	[tilespmem:s17+$0x8B0] =	vst.add.f32.msk $0xffff, v22  }
0x171: {  	[tilespmem:s17+$0x8C0] =	vst.add.f32.msk $0xffff, v23  }
0x172: {  	[tilespmem:s17+$0x8D0] =	vst.add.f32.msk $0xffff, v24  }
0x173: {  	[tilespmem:s17+$0x8E0] =	vst.add.f32.msk $0xffff, v25  }
0x174: {  	[tilespmem:s17+$0x8F0] =	vst.add.f32.msk $0xffff, v26  }
0x175: {  	[tilespmem:s17+$0xC80] =	vst.add.f32.msk $0xffff, v27  }
0x176: {  	[tilespmem:s17+$0xC90] =	vst.add.f32.msk $0xffff, v28  }
0x177: {  	[tilespmem:s17+$0xCA0] =	vst.add.f32.msk $0xffff, v29  }
0x178: {  	[tilespmem:s17+$0xCB0] =	vst.add.f32.msk $0xffff, v30  }
0x179: {  	[tilespmem:s17+$0xCC0] =	vst.add.f32.msk $0xffff, v31  }
0x17a: {  	[tilespmem:s17+$0xCD0] =	vst.add.f32.msk $0xffff, v32  }
0x17b: {  	[tilespmem:s17+$0xCE0] =	vst.add.f32.msk $0xffff, v33  }
0x17c: {  	[tilespmem:s17+$0xCF0] =	vst.add.f32.msk $0xffff, v34  }
0x17d: {  	[tilespmem:s17+$0x1080] =	vst.add.f32.msk $0xffff, v35  }
0x17e: {  	[tilespmem:s17+$0x1090] =	vst.add.f32.msk $0xffff, v36  }
0x17f: {  	[tilespmem:s17+$0x10A0] =	vst.add.f32.msk $0xffff, v37  }
0x180: {  	[tilespmem:s17+$0x10B0] =	vst.add.f32.msk $0xffff, v38  }
0x181: {  	[tilespmem:s17+$0x10C0] =	vst.add.f32.msk $0xffff, v39  }
0x182: {  	[tilespmem:s17+$0x10D0] =	vst.add.f32.msk $0xffff, v40  }
0x183: {  	[tilespmem:s17+$0x10E0] =	vst.add.f32.msk $0xffff, v41  }
0x184: {  	[tilespmem:s17+$0x10F0] =	vst.add.f32.msk $0xffff, v42  }
0x185: {  	[tilespmem:s17+$0x1480] =	vst.add.f32.msk $0xffff, v43  }
0x186: {  	[tilespmem:s17+$0x1490] =	vst.add.f32.msk $0xffff, v44  }
0x187: {  	s31 =	smul.u32 $0xC000, s2;
	s2 =	sadd.s32 $0x1, s2;
	[tilespmem:s17+$0x14A0] =	vst.add.f32.msk $0xffff, v45  }
0x188: {  	s0 =	sor.u32 s4, s0;
	p0 =	sne.s32 s2, $0x4;
	[tilespmem:s17+$0x14B0] =	vst.add.f32.msk $0xffff, v46  }
.Ltmp1:
0x189: {  	s0 =	sshrl.u32 s0, $0x3;
	[tilespmem:s17+$0x14C0] =	vst.add.f32.msk $0xffff, v47;
	(pc) =	sbr.rel @p0 .LBB2_2-.Ltmp1, $4  }
0x18a: {  	s0 =	smul.u32 $0x300, s0;
	[tilespmem:s17+$0x14D0] =	vst.add.f32.msk $0xffff, v48  }
0x18b: {  	s16 =	sadd.s32 $0x800, s16;
	s15 =	sshra.s32 s31, $0x2;
	[tilespmem:s17+$0x14E0] =	vst.add.f32.msk $0xffff, v49  }
0x18c: {  	s30 =	sadd.s32 $0x10, s30;
	s15 =	sor.u32 $0x80, s15;
	s0 =	sadd.s32 s3, s0;
	[tilespmem:s17+$0xC0] =	vst.add.f32.msk $0xffff, v3  }
0x18d: {  	[hbm4b:s0+s5] =	stream.linear.scatter [tilespmem:s15], [sflag:$0x3], $0x3000, $0x38;
	[tilespmem:$0x18080] =	vst v63  }
0x18e: {  	_ =	swait.ge [sflag:s28], $0x3000  }
0x18f: {  	[sflag:s28] =	ssyncset.done $0x0  }
0x190: {  	[sflag:s28] =	ssyncadd.s32 $0xFFFFD000  }
0x191: {  	_ =	swait.ge [sflag:s28], $0x3000  }
0x192: {  	[sflag:s28] =	ssyncset.done $0x0  }
0x193: {  	s29 =	sadd.s32 $0x1, s29;
	[sflag:s28] =	ssyncadd.s32 $0xFFFFD000  }
0x194: {  	p0 =	sne.s32 s29, s13;
	_ =	swait.ge [sflag:s28], $0x3000  }
.Ltmp2:
0x195: {  	[sflag:s28] =	ssyncset.done $0x0;
	(pc) =	sbr.rel @p0 .LBB2_1-.Ltmp2, $4  }
0x196: {  	[sflag:s28] =	ssyncadd.s32 $0xFFFFD000  }
0x197: {  	_ =	swait.ge [sflag:s28], $0x3000  }
0x198: {  	[sflag:s28] =	ssyncset.done $0x0  }
0x199: {  	[sflag:s28] =	ssyncadd.s32 $0xFFFFD000  }
0x19a: {  	_ =	sfence.sel $0x180000  }
0x19b: {  	[bflag:$0x0] =	sbarrier.arrive $0xFFFF  }
0x19c: {  	_ =	strace $0x90000047  }
0x19d: {  	s0 =	stileid.u32;
	[bflag:$0x2] =	sbarrier.arrive $0xFFFF  }
0x19e: {  	p0 =	sne.s32 s0, $0x0;
	s0 =	rddreg [dreg:$0x4]  }
0x19f: {  	s0 =	sadd.s32 @!p0 $0x100000, s0  }
0x1a0: {  	[sflag:s0] =	ssyncadd.tile.s32 @!p0 $0x1;
	_ =	shalt  }
.Lfunc_end2:
_tile_overlayer_lowered:
.L_overlay_start_2:
0x1a1: {  	(tag) =	ssettag $0x2  }
0x1a2: {  	s0 =	rddreg [dreg:$0x0];
	s2 =	stileid.u32  }
0x1a3: {  	s1 =	rddreg [dreg:$0x1];
	p0 =	sne.s32 s2, $0x0  }
0x1a4: {  	s3 =	rddreg [dreg:$0x2];
	[bflag:$0x3] =	sbarrier.arrive $0xFFFF;
	s2 =	simm.s32 @!p0 $0x1C04  }
0x1a5: {  	[timem:s3], [sflag:s2] =	dma.local @!p0 [hbm:s0], s1  }
0x1a6: {  	s0 =	simm.s32 @!p0 $0x4  }
0x1a7: {  	_ =	swait.ge @!p0 [sflag:s0], s1  }
0x1a8: {  	s1 =	ssub.s32 @!p0 $0x0, s1;
	[sflag:s0] =	ssyncset.done @!p0 $0x0  }
0x1a9: {  	[sflag:s0] =	ssyncadd.s32 @!p0 s1  }
0x1aa: {  	[bflag:$0x3] =	sbarrier.arrive $0xFFFF  }
0x1ab: {  	_ =	shalt  }

</sc_bundles>
